<compile_context>
chip_gen: v7x
topology: tpu7x:2x2x1
jax: 0.10.2.dev20260603
libtpu: 0.0.44.dev20260713+nightly
codegen_flags: <defaults>
</compile_context>

<pallas_src>
import functools

import jax
import jax.numpy as jnp
from jax import lax
from jax.experimental import pallas as pl
from jax.experimental.pallas import tpu as pltpu
from jax.experimental.pallas import tpu_sc as plsc

T_TOK = 2048
C_DIM = 768
E_EXP = 8
H_DIM = 3072
S_SH = 2

BT = 128
P_SLOTS = T_TOK + E_EXP * BT
NB = P_SLOTS // BT
BTS = 512
NW = 32
BTOK = T_TOK // NW
NCH = 8
CH = BTOK // NCH
VMEM_LIMIT = 128 * 1024 * 1024


def _router_meta_body(t_ref, wg_ref, ts_ref, be_ref):
    logits = jnp.dot(t_ref[...], wg_ref[...], preferred_element_type=jnp.float32)
    m = jnp.max(logits, axis=-1, keepdims=True)
    ii = lax.broadcasted_iota(jnp.int32, logits.shape, 1)
    topi = jnp.min(jnp.where(logits >= m, ii, E_EXP), axis=-1)
    onehot = (topi[:, None] == ii).astype(jnp.float32)
    counts = jnp.sum(onehot, axis=0).astype(jnp.int32)
    r_i = lax.broadcasted_iota(jnp.int32, (T_TOK, T_TOK), 0)
    c_i = lax.broadcasted_iota(jnp.int32, (T_TOK, T_TOK), 1)
    tril = (c_i < r_i).astype(jnp.float32)
    cum = jnp.dot(tril, onehot, preferred_element_type=jnp.float32)
    rank = jnp.sum(cum * onehot, axis=-1)
    padded = (((counts + BT - 1) // BT) * BT).astype(jnp.float32)
    e_r = lax.broadcasted_iota(jnp.int32, (E_EXP, E_EXP), 0)
    e_c = lax.broadcasted_iota(jnp.int32, (E_EXP, E_EXP), 1)
    tri_e = (e_r < e_c).astype(jnp.float32)
    pad_start = jnp.dot(padded[None, :], tri_e,
                        preferred_element_type=jnp.float32)[0]
    pad_end = pad_start + padded
    ps_t = jnp.sum(onehot * pad_start[None, :], axis=-1)
    ts_ref[...] = (ps_t + rank).astype(jnp.int32).reshape(NW, NCH, CH)
    bs = (lax.broadcasted_iota(jnp.int32, (NB, E_EXP), 0) * BT).astype(
        jnp.float32)
    be = jnp.sum((bs >= pad_end[None, :]).astype(jnp.int32), axis=-1)
    be_ref[...] = jnp.minimum(be, E_EXP - 1)


def _route_meta(t, Wg):
    return pl.pallas_call(
        _router_meta_body,
        out_shape=[
            jax.ShapeDtypeStruct((NW, NCH, CH), jnp.int32),
            jax.ShapeDtypeStruct((NB,), jnp.int32),
        ],
        compiler_params=pltpu.CompilerParams(
            vmem_limit_bytes=VMEM_LIMIT,
        ),
    )(t, Wg)


def _make_sc_dispatch():
    mesh = plsc.VectorSubcoreMesh(core_axis_name="c", subcore_axis_name="s")

    @functools.partial(
        pl.kernel,
        mesh=mesh,
        out_type=jax.ShapeDtypeStruct((P_SLOTS, C_DIM), jnp.float32),
        scratch_types=[
            pltpu.VMEM((NCH, CH), jnp.int32),
            pltpu.VMEM((BTOK, C_DIM), jnp.float32),
            pltpu.SemaphoreType.DMA,
            pltpu.SemaphoreType.DMA,
        ],
    )
    def dk(x_hbm, ts_hbm, out_hbm, idx_v, rows_v, sem_i, sem_d):
        wid = lax.axis_index("s") * 2 + lax.axis_index("c")
        base = wid * BTOK
        ci = pltpu.make_async_copy(ts_hbm.at[wid], idx_v, sem_i)
        ci.start()
        cr = pltpu.make_async_copy(x_hbm.at[pl.ds(base, BTOK)], rows_v, sem_d)
        cr.start()
        ci.wait()
        cr.wait()
        copies = [
            pltpu.make_async_copy(
                rows_v.at[pl.ds(k * CH, CH)],
                out_hbm.at[idx_v.at[k]],
                sem_d,
            )
            for k in range(NCH)
        ]
        for c in copies:
            c.start()
        for c in copies:
            c.wait()

    return dk


def _make_sc_collect():
    mesh = plsc.VectorSubcoreMesh(core_axis_name="c", subcore_axis_name="s")

    @functools.partial(
        pl.kernel,
        mesh=mesh,
        out_type=jax.ShapeDtypeStruct((T_TOK, C_DIM), jnp.float32),
        scratch_types=[
            pltpu.VMEM((NCH, CH), jnp.int32),
            pltpu.VMEM((BTOK, C_DIM), jnp.float32),
            pltpu.SemaphoreType.DMA,
        ],
    )
    def gk(ys_hbm, ts_hbm, out_hbm, idx_v, rows_v, sem):
        wid = lax.axis_index("s") * 2 + lax.axis_index("c")
        base = wid * BTOK
        pltpu.sync_copy(ts_hbm.at[wid], idx_v)
        copies = [
            pltpu.make_async_copy(
                ys_hbm.at[idx_v.at[k]],
                rows_v.at[pl.ds(k * CH, CH)],
                sem,
            )
            for k in range(NCH)
        ]
        for c in copies:
            c.start()
        for c in copies:
            c.wait()
        pltpu.sync_copy(rows_v, out_hbm.at[pl.ds(base, BTOK)])

    return gk


def _bdot(a, b):
    return jnp.dot(a, b, preferred_element_type=jnp.float32)


def _ffn_body(be_ref, xs_ref, w1_ref, b1_ref, w2_ref, b2_ref, ys_ref):
    h = jax.nn.gelu(_bdot(xs_ref[...], w1_ref[0]) + b1_ref[0])
    ys_ref[...] = _bdot(h, w2_ref[0]) + b2_ref[0]


def _routed_ffn(xs, W1, b1, W2, b2, block_expert):
    grid_spec = pltpu.PrefetchScalarGridSpec(
        num_scalar_prefetch=1,
        grid=(NB,),
        in_specs=[
            pl.BlockSpec((BT, C_DIM), lambda i, be: (i, 0)),
            pl.BlockSpec((1, C_DIM, H_DIM), lambda i, be: (be[i], 0, 0)),
            pl.BlockSpec((1, 1, H_DIM), lambda i, be: (be[i], 0, 0)),
            pl.BlockSpec((1, H_DIM, C_DIM), lambda i, be: (be[i], 0, 0)),
            pl.BlockSpec((1, 1, C_DIM), lambda i, be: (be[i], 0, 0)),
        ],
        out_specs=pl.BlockSpec((BT, C_DIM), lambda i, be: (i, 0)),
    )
    return pl.pallas_call(
        _ffn_body,
        grid_spec=grid_spec,
        out_shape=jax.ShapeDtypeStruct((P_SLOTS, C_DIM), jnp.float32),
        compiler_params=pltpu.CompilerParams(
            dimension_semantics=("arbitrary",),
            vmem_limit_bytes=VMEM_LIMIT,
        ),
    )(block_expert, xs, W1, b1.reshape(E_EXP, 1, H_DIM), W2,
      b2.reshape(E_EXP, 1, C_DIM))


def _shared_body(t_ref, rg_ref, ws1_ref, bs1_ref, ws2_ref, bs2_ref, alpha_ref,
                 out_ref, acc_ref):
    s = pl.program_id(0)
    i = pl.program_id(1)
    row = pl.ds(i * BTS, BTS)
    tb = t_ref[...]
    hid = jax.nn.gelu(_bdot(tb, ws1_ref[0]) + bs1_ref[0])
    part = _bdot(hid, ws2_ref[0])

    @pl.when(s == 0)
    def _():
        acc_ref[row, :] = part

    @pl.when(s == S_SH - 1)
    def _():
        bias = jnp.sum(bs2_ref[...], axis=0) * (1.0 / S_SH)
        mean = (acc_ref[row, :] + part) * (1.0 / S_SH) + bias[None, :]
        out_ref[...] = tb + alpha_ref[0] * (rg_ref[...] + mean)


def _shared_combine(t, rg, Ws1, bs1, Ws2, bs2, alpha):
    nblk = T_TOK // BTS
    last = S_SH - 1
    return pl.pallas_call(
        _shared_body,
        grid=(S_SH, nblk),
        in_specs=[
            pl.BlockSpec((BTS, C_DIM), lambda s, i: (i, 0)),
            pl.BlockSpec((BTS, C_DIM),
                         lambda s, i: (jnp.where(s == last, i, 0), 0)),
            pl.BlockSpec((1, C_DIM, H_DIM), lambda s, i: (s, 0, 0)),
            pl.BlockSpec((1, 1, H_DIM), lambda s, i: (s, 0, 0)),
            pl.BlockSpec((1, H_DIM, C_DIM), lambda s, i: (s, 0, 0)),
            pl.BlockSpec((S_SH, C_DIM), lambda s, i: (0, 0)),
            pl.BlockSpec(memory_space=pltpu.SMEM),
        ],
        out_specs=pl.BlockSpec((BTS, C_DIM),
                               lambda s, i: (jnp.where(s == last, i, 0), 0)),
        out_shape=jax.ShapeDtypeStruct((T_TOK, C_DIM), jnp.float32),
        scratch_shapes=[pltpu.VMEM((T_TOK, C_DIM), jnp.float32)],
        compiler_params=pltpu.CompilerParams(
            dimension_semantics=("arbitrary", "arbitrary"),
            vmem_limit_bytes=VMEM_LIMIT,
        ),
    )(t, rg, Ws1, bs1.reshape(S_SH, 1, H_DIM), Ws2, bs2, alpha)


def kernel(x, Wg, W1, b1, W2, b2, Ws1, bs1, Ws2, bs2, alpha):
    t = x.reshape(T_TOK, C_DIM)
    token_slot3, block_expert = _route_meta(t, Wg)
    xs = _make_sc_dispatch()(t, token_slot3)
    ys = _routed_ffn(xs, W1, b1, W2, b2, block_expert)
    rg = _make_sc_collect()(ys, token_slot3)
    out = _shared_combine(t, rg, Ws1, bs1, Ws2, bs2, alpha)
    return out.reshape(x.shape)

# --- scband reference (transcript-rebuilt; emitter-appended) ---
"""Pipeline reference for scband-entity-mo-ewrapper-10651518894849 (READ-ONLY COPY).

The authoritative reference and input builder live on the scoring server;
editing this copy changes nothing except your own understanding.
"""

import jax, jax.numpy as jnp
import numpy as np

B, N, C = 1, 2048, 768
E, S, K = 8, 2, 1
H = int(C * 4.0)


def setup_inputs(seed: int = 0) -> dict:
    key = jax.random.key(seed)
    ks = jax.random.split(key, 11)
    sc = 0.02
    return {
        "x": jax.random.normal(ks[0], (B, N, C), dtype=jnp.float32),
        "Wg": jax.random.normal(ks[1], (C, E), dtype=jnp.float32) * sc,
        "W1": jax.random.normal(ks[2], (E, C, H), dtype=jnp.float32) * sc,
        "b1": jnp.zeros((E, H), dtype=jnp.float32),
        "W2": jax.random.normal(ks[3], (E, H, C), dtype=jnp.float32) * sc,
        "b2": jnp.zeros((E, C), dtype=jnp.float32),
        "Ws1": jax.random.normal(ks[4], (S, C, H), dtype=jnp.float32) * sc,
        "bs1": jnp.zeros((S, H), dtype=jnp.float32),
        "Ws2": jax.random.normal(ks[5], (S, H, C), dtype=jnp.float32) * sc,
        "bs2": jnp.zeros((S, C), dtype=jnp.float32),
        "alpha": jnp.ones((1,), dtype=jnp.float32) * 0.1,
    }


def _entity_moe(t, Wg, W1, b1, W2, b2, Ws1, bs1, Ws2, bs2):
    # t: [T, C] flattened tokens. Sparse top-k routed experts + shared experts.
    T = t.shape[0]
    logits = t @ Wg                              # [T, E]
    probs = jax.nn.softmax(logits, axis=-1)
    topv, topi = jax.lax.top_k(probs, K)         # [T, K]
    topv = topv / jnp.sum(topv, axis=-1, keepdims=True)
    rows = jnp.arange(T)[:, None]
    comb = jnp.zeros_like(probs).at[rows, topi].add(topv)   # dense combine weights [T, E]
    # routed experts (computed densely, combined sparsely via comb)
    h = jax.nn.gelu(jnp.einsum('tc,ech->teh', t, W1) + b1[None, :, :])
    eo = jnp.einsum('teh,ehc->tec', h, W2) + b2[None, :, :]
    routed = jnp.einsum('te,tec->tc', comb, eo)
    # shared experts (always active, averaged)
    hs = jax.nn.gelu(jnp.einsum('tc,sch->tsh', t, Ws1) + bs1[None, :, :])
    so = jnp.einsum('tsh,shc->tsc', hs, Ws2) + bs2[None, :, :]
    shared = jnp.mean(so, axis=1)
    return routed + shared


def reference(x, Wg, W1, b1, W2, b2, Ws1, bs1, Ws2, bs2, alpha):
    # original_layer == identity, so main_out = x (3D path: B, N, C)
    main_out = x
    Bx, Nx, Cx = main_out.shape
    t = main_out.reshape(Bx * Nx, Cx)
    moe_out = _entity_moe(t, Wg, W1, b1, W2, b2, Ws1, bs1, Ws2, bs2).reshape(Bx, Nx, Cx)
    enhanced_out = main_out + alpha * moe_out
    return enhanced_out

if __name__ == "__main__":
    import jax
    _d = setup_inputs()
    print(jax.jit(kernel)(*tuple(_d.values())))

</pallas_src>

<mosaic_0001>
#map = affine_map<(d0, d1) -> (0, 0)>
#map1 = affine_map<(d0, d1) -> (0, 0, 0)>
module attributes {stable_mosaic.version = 14 : i64} {
  func.func @gk(%arg0: i32, %arg1: i32, %arg2: memref<3072x768xf32, #tpu.memory_space<hbm>>, %arg3: memref<32x8x8xi32, #tpu.memory_space<hbm>>, %arg4: memref<2048x768xf32, #tpu.memory_space<hbm>>, %arg5: memref<8x8xi32, #tpu.memory_space<vmem>>, %arg6: memref<64x768xf32, #tpu.memory_space<vmem>>, %arg7: memref<!tpu.dma_semaphore, #tpu.memory_space<semaphore_mem>>) attributes {dimension_semantics = [#tpu.dimension_semantics<core_parallel>, #tpu.dimension_semantics<subcore_parallel>], iteration_bounds = array<i64: 2, 16>, scalar_prefetch = 0 : i64, scratch_operands = 3 : i64, tpu.core_type = #tpu.core_type<sc_vector_subcore>, window_params = [{transform_indices = #map}, {transform_indices = #map1}, {transform_indices = #map}]} {
    %mul3A = arith.constant 2 : i32
    %mul3A_0 = arith.muli %arg1, %mul3A : i32
    %add3A = arith.addi %mul3A_0, %arg0 : i32
    %mul3A_1 = arith.constant 64 : i32
    %mul3A_2 = arith.muli %add3A, %mul3A_1 : i32
    "tpu.region"() ({
      %run_scoped3A = tpu.sem_alloc : memref<!tpu.dma_semaphore, #tpu.memory_space<semaphore_mem>>
      %dma_start3A_161 = arith.constant 0 : i32
      %dma_start3A_162 = arith.constant 0 : i32
      %dma_start3A_163 = tpu.memref_slice %arg3[%add3A, %dma_start3A_161, %dma_start3A_162] : memref<32x8x8xi32, #tpu.memory_space<hbm>> -> memref<1x8x8xi32, #tpu.memory_space<hbm>>
      %dma_start3A_164 = tpu.memref_squeeze %dma_start3A_163 : memref<1x8x8xi32, #tpu.memory_space<hbm>> -> memref<8x8xi32, #tpu.memory_space<hbm>>
      %dma_start3A_165 = arith.constant 0 : i32
      %dma_start3A_166 = arith.constant 0 : i32
      %dma_start3A_167 = tpu.memref_slice %arg3[%add3A, %dma_start3A_165, %dma_start3A_166] : memref<32x8x8xi32, #tpu.memory_space<hbm>> -> memref<1x8x8xi32, #tpu.memory_space<hbm>>
      %dma_start3A_168 = tpu.memref_squeeze %dma_start3A_167 : memref<1x8x8xi32, #tpu.memory_space<hbm>> -> memref<8x8xi32, #tpu.memory_space<hbm>>
      tpu.enqueue_dma source(%dma_start3A_168 : memref<8x8xi32, #tpu.memory_space<hbm>>) target(%arg5 : memref<8x8xi32, #tpu.memory_space<vmem>>) target_semaphore(%run_scoped3A : memref<!tpu.dma_semaphore, #tpu.memory_space<semaphore_mem>>)
      %dma_wait3A_169 = arith.constant 0 : i32
      %dma_wait3A_170 = arith.constant 0 : i32
      %dma_wait3A_171 = tpu.memref_slice %arg3[%add3A, %dma_wait3A_169, %dma_wait3A_170] : memref<32x8x8xi32, #tpu.memory_space<hbm>> -> memref<1x8x8xi32, #tpu.memory_space<hbm>>
      %dma_wait3A_172 = tpu.memref_squeeze %dma_wait3A_171 : memref<1x8x8xi32, #tpu.memory_space<hbm>> -> memref<8x8xi32, #tpu.memory_space<hbm>>
      %dma_wait3A_173 = arith.constant 0 : i32
      %dma_wait3A_174 = arith.constant 0 : i32
      %dma_wait3A_175 = tpu.memref_slice %arg3[%add3A, %dma_wait3A_173, %dma_wait3A_174] : memref<32x8x8xi32, #tpu.memory_space<hbm>> -> memref<1x8x8xi32, #tpu.memory_space<hbm>>
      %dma_wait3A_176 = tpu.memref_squeeze %dma_wait3A_175 : memref<1x8x8xi32, #tpu.memory_space<hbm>> -> memref<8x8xi32, #tpu.memory_space<hbm>>
      tpu.wait_dma2 semaphore(%run_scoped3A : memref<!tpu.dma_semaphore, #tpu.memory_space<semaphore_mem>>) src(%dma_wait3A_176 : memref<8x8xi32, #tpu.memory_space<hbm>>) dst(%arg5 : memref<8x8xi32, #tpu.memory_space<vmem>>)
      tpu.yield
    }) : () -> ()
    %dma_start3A = arith.constant 0 : i32
    %dma_start3A_3 = arith.constant 0 : i32
    %dma_start3A_4 = arith.constant 0 : i32
    %dma_start3A_5 = tpu.memref_slice %arg6[%dma_start3A_3, %dma_start3A_4] : memref<64x768xf32, #tpu.memory_space<vmem>> -> memref<8x768xf32, #tpu.memory_space<vmem>>
    %dma_start3A_6 = arith.constant 0 : i32
    %dma_start3A_7 = tpu.memref_slice %arg5[%dma_start3A, %dma_start3A_6] : memref<8x8xi32, #tpu.memory_space<vmem>> -> memref<1x8xi32, #tpu.memory_space<vmem>>
    %dma_start3A_8 = tpu.memref_squeeze %dma_start3A_7 : memref<1x8xi32, #tpu.memory_space<vmem>> -> memref<8xi32, #tpu.memory_space<vmem>>
    %dma_start3A_9 = arith.constant 0 : i32
    %dma_start3A_10 = arith.constant 0 : i32
    %dma_start3A_11 = tpu.memref_slice %arg2[%dma_start3A_9, %dma_start3A_10] : memref<3072x768xf32, #tpu.memory_space<hbm>> -> memref<3072x768xf32, #tpu.memory_space<hbm>>
    tpu.enqueue_indirect_dma source(%dma_start3A_11 : memref<3072x768xf32, #tpu.memory_space<hbm>>) target(%dma_start3A_5 : memref<8x768xf32, #tpu.memory_space<vmem>>) offsets(%dma_start3A_8 : memref<8xi32, #tpu.memory_space<vmem>>) semaphore(%arg7 : memref<!tpu.dma_semaphore, #tpu.memory_space<semaphore_mem>>)
    %dma_start3A_12 = arith.constant 1 : i32
    %dma_start3A_13 = arith.constant 8 : i32
    %dma_start3A_14 = arith.constant 0 : i32
    %dma_start3A_15 = tpu.memref_slice %arg6[%dma_start3A_13, %dma_start3A_14] : memref<64x768xf32, #tpu.memory_space<vmem>> -> memref<8x768xf32, #tpu.memory_space<vmem>>
    %dma_start3A_16 = arith.constant 0 : i32
    %dma_start3A_17 = tpu.memref_slice %arg5[%dma_start3A_12, %dma_start3A_16] : memref<8x8xi32, #tpu.memory_space<vmem>> -> memref<1x8xi32, #tpu.memory_space<vmem>>
    %dma_start3A_18 = tpu.memref_squeeze %dma_start3A_17 : memref<1x8xi32, #tpu.memory_space<vmem>> -> memref<8xi32, #tpu.memory_space<vmem>>
    %dma_start3A_19 = arith.constant 0 : i32
    %dma_start3A_20 = arith.constant 0 : i32
    %dma_start3A_21 = tpu.memref_slice %arg2[%dma_start3A_19, %dma_start3A_20] : memref<3072x768xf32, #tpu.memory_space<hbm>> -> memref<3072x768xf32, #tpu.memory_space<hbm>>
    tpu.enqueue_indirect_dma source(%dma_start3A_21 : memref<3072x768xf32, #tpu.memory_space<hbm>>) target(%dma_start3A_15 : memref<8x768xf32, #tpu.memory_space<vmem>>) offsets(%dma_start3A_18 : memref<8xi32, #tpu.memory_space<vmem>>) semaphore(%arg7 : memref<!tpu.dma_semaphore, #tpu.memory_space<semaphore_mem>>)
    %dma_start3A_22 = arith.constant 2 : i32
    %dma_start3A_23 = arith.constant 16 : i32
    %dma_start3A_24 = arith.constant 0 : i32
    %dma_start3A_25 = tpu.memref_slice %arg6[%dma_start3A_23, %dma_start3A_24] : memref<64x768xf32, #tpu.memory_space<vmem>> -> memref<8x768xf32, #tpu.memory_space<vmem>>
    %dma_start3A_26 = arith.constant 0 : i32
    %dma_start3A_27 = tpu.memref_slice %arg5[%dma_start3A_22, %dma_start3A_26] : memref<8x8xi32, #tpu.memory_space<vmem>> -> memref<1x8xi32, #tpu.memory_space<vmem>>
    %dma_start3A_28 = tpu.memref_squeeze %dma_start3A_27 : memref<1x8xi32, #tpu.memory_space<vmem>> -> memref<8xi32, #tpu.memory_space<vmem>>
    %dma_start3A_29 = arith.constant 0 : i32
    %dma_start3A_30 = arith.constant 0 : i32
    %dma_start3A_31 = tpu.memref_slice %arg2[%dma_start3A_29, %dma_start3A_30] : memref<3072x768xf32, #tpu.memory_space<hbm>> -> memref<3072x768xf32, #tpu.memory_space<hbm>>
    tpu.enqueue_indirect_dma source(%dma_start3A_31 : memref<3072x768xf32, #tpu.memory_space<hbm>>) target(%dma_start3A_25 : memref<8x768xf32, #tpu.memory_space<vmem>>) offsets(%dma_start3A_28 : memref<8xi32, #tpu.memory_space<vmem>>) semaphore(%arg7 : memref<!tpu.dma_semaphore, #tpu.memory_space<semaphore_mem>>)
    %dma_start3A_32 = arith.constant 3 : i32
    %dma_start3A_33 = arith.constant 24 : i32
    %dma_start3A_34 = arith.constant 0 : i32
    %dma_start3A_35 = tpu.memref_slice %arg6[%dma_start3A_33, %dma_start3A_34] : memref<64x768xf32, #tpu.memory_space<vmem>> -> memref<8x768xf32, #tpu.memory_space<vmem>>
    %dma_start3A_36 = arith.constant 0 : i32
    %dma_start3A_37 = tpu.memref_slice %arg5[%dma_start3A_32, %dma_start3A_36] : memref<8x8xi32, #tpu.memory_space<vmem>> -> memref<1x8xi32, #tpu.memory_space<vmem>>
    %dma_start3A_38 = tpu.memref_squeeze %dma_start3A_37 : memref<1x8xi32, #tpu.memory_space<vmem>> -> memref<8xi32, #tpu.memory_space<vmem>>
    %dma_start3A_39 = arith.constant 0 : i32
    %dma_start3A_40 = arith.constant 0 : i32
    %dma_start3A_41 = tpu.memref_slice %arg2[%dma_start3A_39, %dma_start3A_40] : memref<3072x768xf32, #tpu.memory_space<hbm>> -> memref<3072x768xf32, #tpu.memory_space<hbm>>
    tpu.enqueue_indirect_dma source(%dma_start3A_41 : memref<3072x768xf32, #tpu.memory_space<hbm>>) target(%dma_start3A_35 : memref<8x768xf32, #tpu.memory_space<vmem>>) offsets(%dma_start3A_38 : memref<8xi32, #tpu.memory_space<vmem>>) semaphore(%arg7 : memref<!tpu.dma_semaphore, #tpu.memory_space<semaphore_mem>>)
    %dma_start3A_42 = arith.constant 4 : i32
    %dma_start3A_43 = arith.constant 32 : i32
    %dma_start3A_44 = arith.constant 0 : i32
    %dma_start3A_45 = tpu.memref_slice %arg6[%dma_start3A_43, %dma_start3A_44] : memref<64x768xf32, #tpu.memory_space<vmem>> -> memref<8x768xf32, #tpu.memory_space<vmem>>
    %dma_start3A_46 = arith.constant 0 : i32
    %dma_start3A_47 = tpu.memref_slice %arg5[%dma_start3A_42, %dma_start3A_46] : memref<8x8xi32, #tpu.memory_space<vmem>> -> memref<1x8xi32, #tpu.memory_space<vmem>>
    %dma_start3A_48 = tpu.memref_squeeze %dma_start3A_47 : memref<1x8xi32, #tpu.memory_space<vmem>> -> memref<8xi32, #tpu.memory_space<vmem>>
    %dma_start3A_49 = arith.constant 0 : i32
    %dma_start3A_50 = arith.constant 0 : i32
    %dma_start3A_51 = tpu.memref_slice %arg2[%dma_start3A_49, %dma_start3A_50] : memref<3072x768xf32, #tpu.memory_space<hbm>> -> memref<3072x768xf32, #tpu.memory_space<hbm>>
    tpu.enqueue_indirect_dma source(%dma_start3A_51 : memref<3072x768xf32, #tpu.memory_space<hbm>>) target(%dma_start3A_45 : memref<8x768xf32, #tpu.memory_space<vmem>>) offsets(%dma_start3A_48 : memref<8xi32, #tpu.memory_space<vmem>>) semaphore(%arg7 : memref<!tpu.dma_semaphore, #tpu.memory_space<semaphore_mem>>)
    %dma_start3A_52 = arith.constant 5 : i32
    %dma_start3A_53 = arith.constant 40 : i32
    %dma_start3A_54 = arith.constant 0 : i32
    %dma_start3A_55 = tpu.memref_slice %arg6[%dma_start3A_53, %dma_start3A_54] : memref<64x768xf32, #tpu.memory_space<vmem>> -> memref<8x768xf32, #tpu.memory_space<vmem>>
    %dma_start3A_56 = arith.constant 0 : i32
    %dma_start3A_57 = tpu.memref_slice %arg5[%dma_start3A_52, %dma_start3A_56] : memref<8x8xi32, #tpu.memory_space<vmem>> -> memref<1x8xi32, #tpu.memory_space<vmem>>
    %dma_start3A_58 = tpu.memref_squeeze %dma_start3A_57 : memref<1x8xi32, #tpu.memory_space<vmem>> -> memref<8xi32, #tpu.memory_space<vmem>>
    %dma_start3A_59 = arith.constant 0 : i32
    %dma_start3A_60 = arith.constant 0 : i32
    %dma_start3A_61 = tpu.memref_slice %arg2[%dma_start3A_59, %dma_start3A_60] : memref<3072x768xf32, #tpu.memory_space<hbm>> -> memref<3072x768xf32, #tpu.memory_space<hbm>>
    tpu.enqueue_indirect_dma source(%dma_start3A_61 : memref<3072x768xf32, #tpu.memory_space<hbm>>) target(%dma_start3A_55 : memref<8x768xf32, #tpu.memory_space<vmem>>) offsets(%dma_start3A_58 : memref<8xi32, #tpu.memory_space<vmem>>) semaphore(%arg7 : memref<!tpu.dma_semaphore, #tpu.memory_space<semaphore_mem>>)
    %dma_start3A_62 = arith.constant 6 : i32
    %dma_start3A_63 = arith.constant 48 : i32
    %dma_start3A_64 = arith.constant 0 : i32
    %dma_start3A_65 = tpu.memref_slice %arg6[%dma_start3A_63, %dma_start3A_64] : memref<64x768xf32, #tpu.memory_space<vmem>> -> memref<8x768xf32, #tpu.memory_space<vmem>>
    %dma_start3A_66 = arith.constant 0 : i32
    %dma_start3A_67 = tpu.memref_slice %arg5[%dma_start3A_62, %dma_start3A_66] : memref<8x8xi32, #tpu.memory_space<vmem>> -> memref<1x8xi32, #tpu.memory_space<vmem>>
    %dma_start3A_68 = tpu.memref_squeeze %dma_start3A_67 : memref<1x8xi32, #tpu.memory_space<vmem>> -> memref<8xi32, #tpu.memory_space<vmem>>
    %dma_start3A_69 = arith.constant 0 : i32
    %dma_start3A_70 = arith.constant 0 : i32
    %dma_start3A_71 = tpu.memref_slice %arg2[%dma_start3A_69, %dma_start3A_70] : memref<3072x768xf32, #tpu.memory_space<hbm>> -> memref<3072x768xf32, #tpu.memory_space<hbm>>
    tpu.enqueue_indirect_dma source(%dma_start3A_71 : memref<3072x768xf32, #tpu.memory_space<hbm>>) target(%dma_start3A_65 : memref<8x768xf32, #tpu.memory_space<vmem>>) offsets(%dma_start3A_68 : memref<8xi32, #tpu.memory_space<vmem>>) semaphore(%arg7 : memref<!tpu.dma_semaphore, #tpu.memory_space<semaphore_mem>>)
    %dma_start3A_72 = arith.constant 7 : i32
    %dma_start3A_73 = arith.constant 56 : i32
    %dma_start3A_74 = arith.constant 0 : i32
    %dma_start3A_75 = tpu.memref_slice %arg6[%dma_start3A_73, %dma_start3A_74] : memref<64x768xf32, #tpu.memory_space<vmem>> -> memref<8x768xf32, #tpu.memory_space<vmem>>
    %dma_start3A_76 = arith.constant 0 : i32
    %dma_start3A_77 = tpu.memref_slice %arg5[%dma_start3A_72, %dma_start3A_76] : memref<8x8xi32, #tpu.memory_space<vmem>> -> memref<1x8xi32, #tpu.memory_space<vmem>>
    %dma_start3A_78 = tpu.memref_squeeze %dma_start3A_77 : memref<1x8xi32, #tpu.memory_space<vmem>> -> memref<8xi32, #tpu.memory_space<vmem>>
    %dma_start3A_79 = arith.constant 0 : i32
    %dma_start3A_80 = arith.constant 0 : i32
    %dma_start3A_81 = tpu.memref_slice %arg2[%dma_start3A_79, %dma_start3A_80] : memref<3072x768xf32, #tpu.memory_space<hbm>> -> memref<3072x768xf32, #tpu.memory_space<hbm>>
    tpu.enqueue_indirect_dma source(%dma_start3A_81 : memref<3072x768xf32, #tpu.memory_space<hbm>>) target(%dma_start3A_75 : memref<8x768xf32, #tpu.memory_space<vmem>>) offsets(%dma_start3A_78 : memref<8xi32, #tpu.memory_space<vmem>>) semaphore(%arg7 : memref<!tpu.dma_semaphore, #tpu.memory_space<semaphore_mem>>)
    %dma_wait3A = arith.constant 0 : i32
    %dma_wait3A_82 = arith.constant 0 : i32
    %dma_wait3A_83 = arith.constant 0 : i32
    %dma_wait3A_84 = tpu.memref_slice %arg6[%dma_wait3A_82, %dma_wait3A_83] : memref<64x768xf32, #tpu.memory_space<vmem>> -> memref<8x768xf32, #tpu.memory_space<vmem>>
    %dma_wait3A_85 = arith.constant 0 : i32
    %dma_wait3A_86 = tpu.memref_slice %arg5[%dma_wait3A, %dma_wait3A_85] : memref<8x8xi32, #tpu.memory_space<vmem>> -> memref<1x8xi32, #tpu.memory_space<vmem>>
    %dma_wait3A_87 = tpu.memref_squeeze %dma_wait3A_86 : memref<1x8xi32, #tpu.memory_space<vmem>> -> memref<8xi32, #tpu.memory_space<vmem>>
    %dma_wait3A_88 = arith.constant 0 : i32
    %dma_wait3A_89 = arith.constant 0 : i32
    %dma_wait3A_90 = tpu.memref_slice %arg2[%dma_wait3A_88, %dma_wait3A_89] : memref<3072x768xf32, #tpu.memory_space<hbm>> -> memref<3072x768xf32, #tpu.memory_space<hbm>>
    tpu.wait_indirect_dma semaphore(%arg7 : memref<!tpu.dma_semaphore, #tpu.memory_space<semaphore_mem>>) src(%dma_wait3A_90 : memref<3072x768xf32, #tpu.memory_space<hbm>>) dst(%dma_wait3A_84 : memref<8x768xf32, #tpu.memory_space<vmem>>)
    %dma_wait3A_91 = arith.constant 1 : i32
    %dma_wait3A_92 = arith.constant 8 : i32
    %dma_wait3A_93 = arith.constant 0 : i32
    %dma_wait3A_94 = tpu.memref_slice %arg6[%dma_wait3A_92, %dma_wait3A_93] : memref<64x768xf32, #tpu.memory_space<vmem>> -> memref<8x768xf32, #tpu.memory_space<vmem>>
    %dma_wait3A_95 = arith.constant 0 : i32
    %dma_wait3A_96 = tpu.memref_slice %arg5[%dma_wait3A_91, %dma_wait3A_95] : memref<8x8xi32, #tpu.memory_space<vmem>> -> memref<1x8xi32, #tpu.memory_space<vmem>>
    %dma_wait3A_97 = tpu.memref_squeeze %dma_wait3A_96 : memref<1x8xi32, #tpu.memory_space<vmem>> -> memref<8xi32, #tpu.memory_space<vmem>>
    %dma_wait3A_98 = arith.constant 0 : i32
    %dma_wait3A_99 = arith.constant 0 : i32
    %dma_wait3A_100 = tpu.memref_slice %arg2[%dma_wait3A_98, %dma_wait3A_99] : memref<3072x768xf32, #tpu.memory_space<hbm>> -> memref<3072x768xf32, #tpu.memory_space<hbm>>
    tpu.wait_indirect_dma semaphore(%arg7 : memref<!tpu.dma_semaphore, #tpu.memory_space<semaphore_mem>>) src(%dma_wait3A_100 : memref<3072x768xf32, #tpu.memory_space<hbm>>) dst(%dma_wait3A_94 : memref<8x768xf32, #tpu.memory_space<vmem>>)
    %dma_wait3A_101 = arith.constant 2 : i32
    %dma_wait3A_102 = arith.constant 16 : i32
    %dma_wait3A_103 = arith.constant 0 : i32
    %dma_wait3A_104 = tpu.memref_slice %arg6[%dma_wait3A_102, %dma_wait3A_103] : memref<64x768xf32, #tpu.memory_space<vmem>> -> memref<8x768xf32, #tpu.memory_space<vmem>>
    %dma_wait3A_105 = arith.constant 0 : i32
    %dma_wait3A_106 = tpu.memref_slice %arg5[%dma_wait3A_101, %dma_wait3A_105] : memref<8x8xi32, #tpu.memory_space<vmem>> -> memref<1x8xi32, #tpu.memory_space<vmem>>
    %dma_wait3A_107 = tpu.memref_squeeze %dma_wait3A_106 : memref<1x8xi32, #tpu.memory_space<vmem>> -> memref<8xi32, #tpu.memory_space<vmem>>
    %dma_wait3A_108 = arith.constant 0 : i32
    %dma_wait3A_109 = arith.constant 0 : i32
    %dma_wait3A_110 = tpu.memref_slice %arg2[%dma_wait3A_108, %dma_wait3A_109] : memref<3072x768xf32, #tpu.memory_space<hbm>> -> memref<3072x768xf32, #tpu.memory_space<hbm>>
    tpu.wait_indirect_dma semaphore(%arg7 : memref<!tpu.dma_semaphore, #tpu.memory_space<semaphore_mem>>) src(%dma_wait3A_110 : memref<3072x768xf32, #tpu.memory_space<hbm>>) dst(%dma_wait3A_104 : memref<8x768xf32, #tpu.memory_space<vmem>>)
    %dma_wait3A_111 = arith.constant 3 : i32
    %dma_wait3A_112 = arith.constant 24 : i32
    %dma_wait3A_113 = arith.constant 0 : i32
    %dma_wait3A_114 = tpu.memref_slice %arg6[%dma_wait3A_112, %dma_wait3A_113] : memref<64x768xf32, #tpu.memory_space<vmem>> -> memref<8x768xf32, #tpu.memory_space<vmem>>
    %dma_wait3A_115 = arith.constant 0 : i32
    %dma_wait3A_116 = tpu.memref_slice %arg5[%dma_wait3A_111, %dma_wait3A_115] : memref<8x8xi32, #tpu.memory_space<vmem>> -> memref<1x8xi32, #tpu.memory_space<vmem>>
    %dma_wait3A_117 = tpu.memref_squeeze %dma_wait3A_116 : memref<1x8xi32, #tpu.memory_space<vmem>> -> memref<8xi32, #tpu.memory_space<vmem>>
    %dma_wait3A_118 = arith.constant 0 : i32
    %dma_wait3A_119 = arith.constant 0 : i32
    %dma_wait3A_120 = tpu.memref_slice %arg2[%dma_wait3A_118, %dma_wait3A_119] : memref<3072x768xf32, #tpu.memory_space<hbm>> -> memref<3072x768xf32, #tpu.memory_space<hbm>>
    tpu.wait_indirect_dma semaphore(%arg7 : memref<!tpu.dma_semaphore, #tpu.memory_space<semaphore_mem>>) src(%dma_wait3A_120 : memref<3072x768xf32, #tpu.memory_space<hbm>>) dst(%dma_wait3A_114 : memref<8x768xf32, #tpu.memory_space<vmem>>)
    %dma_wait3A_121 = arith.constant 4 : i32
    %dma_wait3A_122 = arith.constant 32 : i32
    %dma_wait3A_123 = arith.constant 0 : i32
    %dma_wait3A_124 = tpu.memref_slice %arg6[%dma_wait3A_122, %dma_wait3A_123] : memref<64x768xf32, #tpu.memory_space<vmem>> -> memref<8x768xf32, #tpu.memory_space<vmem>>
    %dma_wait3A_125 = arith.constant 0 : i32
    %dma_wait3A_126 = tpu.memref_slice %arg5[%dma_wait3A_121, %dma_wait3A_125] : memref<8x8xi32, #tpu.memory_space<vmem>> -> memref<1x8xi32, #tpu.memory_space<vmem>>
    %dma_wait3A_127 = tpu.memref_squeeze %dma_wait3A_126 : memref<1x8xi32, #tpu.memory_space<vmem>> -> memref<8xi32, #tpu.memory_space<vmem>>
    %dma_wait3A_128 = arith.constant 0 : i32
    %dma_wait3A_129 = arith.constant 0 : i32
    %dma_wait3A_130 = tpu.memref_slice %arg2[%dma_wait3A_128, %dma_wait3A_129] : memref<3072x768xf32, #tpu.memory_space<hbm>> -> memref<3072x768xf32, #tpu.memory_space<hbm>>
    tpu.wait_indirect_dma semaphore(%arg7 : memref<!tpu.dma_semaphore, #tpu.memory_space<semaphore_mem>>) src(%dma_wait3A_130 : memref<3072x768xf32, #tpu.memory_space<hbm>>) dst(%dma_wait3A_124 : memref<8x768xf32, #tpu.memory_space<vmem>>)
    %dma_wait3A_131 = arith.constant 5 : i32
    %dma_wait3A_132 = arith.constant 40 : i32
    %dma_wait3A_133 = arith.constant 0 : i32
    %dma_wait3A_134 = tpu.memref_slice %arg6[%dma_wait3A_132, %dma_wait3A_133] : memref<64x768xf32, #tpu.memory_space<vmem>> -> memref<8x768xf32, #tpu.memory_space<vmem>>
    %dma_wait3A_135 = arith.constant 0 : i32
    %dma_wait3A_136 = tpu.memref_slice %arg5[%dma_wait3A_131, %dma_wait3A_135] : memref<8x8xi32, #tpu.memory_space<vmem>> -> memref<1x8xi32, #tpu.memory_space<vmem>>
    %dma_wait3A_137 = tpu.memref_squeeze %dma_wait3A_136 : memref<1x8xi32, #tpu.memory_space<vmem>> -> memref<8xi32, #tpu.memory_space<vmem>>
    %dma_wait3A_138 = arith.constant 0 : i32
    %dma_wait3A_139 = arith.constant 0 : i32
    %dma_wait3A_140 = tpu.memref_slice %arg2[%dma_wait3A_138, %dma_wait3A_139] : memref<3072x768xf32, #tpu.memory_space<hbm>> -> memref<3072x768xf32, #tpu.memory_space<hbm>>
    tpu.wait_indirect_dma semaphore(%arg7 : memref<!tpu.dma_semaphore, #tpu.memory_space<semaphore_mem>>) src(%dma_wait3A_140 : memref<3072x768xf32, #tpu.memory_space<hbm>>) dst(%dma_wait3A_134 : memref<8x768xf32, #tpu.memory_space<vmem>>)
    %dma_wait3A_141 = arith.constant 6 : i32
    %dma_wait3A_142 = arith.constant 48 : i32
    %dma_wait3A_143 = arith.constant 0 : i32
    %dma_wait3A_144 = tpu.memref_slice %arg6[%dma_wait3A_142, %dma_wait3A_143] : memref<64x768xf32, #tpu.memory_space<vmem>> -> memref<8x768xf32, #tpu.memory_space<vmem>>
    %dma_wait3A_145 = arith.constant 0 : i32
    %dma_wait3A_146 = tpu.memref_slice %arg5[%dma_wait3A_141, %dma_wait3A_145] : memref<8x8xi32, #tpu.memory_space<vmem>> -> memref<1x8xi32, #tpu.memory_space<vmem>>
    %dma_wait3A_147 = tpu.memref_squeeze %dma_wait3A_146 : memref<1x8xi32, #tpu.memory_space<vmem>> -> memref<8xi32, #tpu.memory_space<vmem>>
    %dma_wait3A_148 = arith.constant 0 : i32
    %dma_wait3A_149 = arith.constant 0 : i32
    %dma_wait3A_150 = tpu.memref_slice %arg2[%dma_wait3A_148, %dma_wait3A_149] : memref<3072x768xf32, #tpu.memory_space<hbm>> -> memref<3072x768xf32, #tpu.memory_space<hbm>>
    tpu.wait_indirect_dma semaphore(%arg7 : memref<!tpu.dma_semaphore, #tpu.memory_space<semaphore_mem>>) src(%dma_wait3A_150 : memref<3072x768xf32, #tpu.memory_space<hbm>>) dst(%dma_wait3A_144 : memref<8x768xf32, #tpu.memory_space<vmem>>)
    %dma_wait3A_151 = arith.constant 7 : i32
    %dma_wait3A_152 = arith.constant 56 : i32
    %dma_wait3A_153 = arith.constant 0 : i32
    %dma_wait3A_154 = tpu.memref_slice %arg6[%dma_wait3A_152, %dma_wait3A_153] : memref<64x768xf32, #tpu.memory_space<vmem>> -> memref<8x768xf32, #tpu.memory_space<vmem>>
    %dma_wait3A_155 = arith.constant 0 : i32
    %dma_wait3A_156 = tpu.memref_slice %arg5[%dma_wait3A_151, %dma_wait3A_155] : memref<8x8xi32, #tpu.memory_space<vmem>> -> memref<1x8xi32, #tpu.memory_space<vmem>>
    %dma_wait3A_157 = tpu.memref_squeeze %dma_wait3A_156 : memref<1x8xi32, #tpu.memory_space<vmem>> -> memref<8xi32, #tpu.memory_space<vmem>>
    %dma_wait3A_158 = arith.constant 0 : i32
    %dma_wait3A_159 = arith.constant 0 : i32
    %dma_wait3A_160 = tpu.memref_slice %arg2[%dma_wait3A_158, %dma_wait3A_159] : memref<3072x768xf32, #tpu.memory_space<hbm>> -> memref<3072x768xf32, #tpu.memory_space<hbm>>
    tpu.wait_indirect_dma semaphore(%arg7 : memref<!tpu.dma_semaphore, #tpu.memory_space<semaphore_mem>>) src(%dma_wait3A_160 : memref<3072x768xf32, #tpu.memory_space<hbm>>) dst(%dma_wait3A_154 : memref<8x768xf32, #tpu.memory_space<vmem>>)
    "tpu.region"() ({
      %run_scoped3A = tpu.sem_alloc : memref<!tpu.dma_semaphore, #tpu.memory_space<semaphore_mem>>
      %dma_start3A_161 = arith.constant 0 : i32
      %dma_start3A_162 = tpu.memref_slice %arg4[%mul3A_2, %dma_start3A_161] : memref<2048x768xf32, #tpu.memory_space<hbm>> -> memref<64x768xf32, #tpu.memory_space<hbm>>
      %dma_start3A_163 = arith.constant 0 : i32
      %dma_start3A_164 = tpu.memref_slice %arg4[%mul3A_2, %dma_start3A_163] : memref<2048x768xf32, #tpu.memory_space<hbm>> -> memref<64x768xf32, #tpu.memory_space<hbm>>
      tpu.enqueue_dma source(%arg6 : memref<64x768xf32, #tpu.memory_space<vmem>>) target(%dma_start3A_164 : memref<64x768xf32, #tpu.memory_space<hbm>>) target_semaphore(%run_scoped3A : memref<!tpu.dma_semaphore, #tpu.memory_space<semaphore_mem>>)
      %dma_wait3A_165 = arith.constant 0 : i32
      %dma_wait3A_166 = tpu.memref_slice %arg4[%mul3A_2, %dma_wait3A_165] : memref<2048x768xf32, #tpu.memory_space<hbm>> -> memref<64x768xf32, #tpu.memory_space<hbm>>
      %dma_wait3A_167 = arith.constant 0 : i32
      %dma_wait3A_168 = tpu.memref_slice %arg4[%mul3A_2, %dma_wait3A_167] : memref<2048x768xf32, #tpu.memory_space<hbm>> -> memref<64x768xf32, #tpu.memory_space<hbm>>
      tpu.wait_dma2 semaphore(%run_scoped3A : memref<!tpu.dma_semaphore, #tpu.memory_space<semaphore_mem>>) src(%arg6 : memref<64x768xf32, #tpu.memory_space<vmem>>) dst(%dma_wait3A_168 : memref<64x768xf32, #tpu.memory_space<hbm>>)
      tpu.yield
    }) : () -> ()
    return
  }
}

#map = affine_map<(d0, d1) -> (0, 0)>
#map1 = affine_map<(d0, d1) -> (0, 0, 0)>
module attributes {stable_mosaic.version = 14 : i64} {
  func.func @dk(%arg0: i32, %arg1: i32, %arg2: memref<2048x768xf32, #tpu.memory_space<hbm>>, %arg3: memref<32x8x8xi32, #tpu.memory_space<hbm>>, %arg4: memref<3072x768xf32, #tpu.memory_space<hbm>>, %arg5: memref<8x8xi32, #tpu.memory_space<vmem>>, %arg6: memref<64x768xf32, #tpu.memory_space<vmem>>, %arg7: memref<!tpu.dma_semaphore, #tpu.memory_space<semaphore_mem>>, %arg8: memref<!tpu.dma_semaphore, #tpu.memory_space<semaphore_mem>>) attributes {dimension_semantics = [#tpu.dimension_semantics<core_parallel>, #tpu.dimension_semantics<subcore_parallel>], iteration_bounds = array<i64: 2, 16>, scalar_prefetch = 0 : i64, scratch_operands = 4 : i64, tpu.core_type = #tpu.core_type<sc_vector_subcore>, window_params = [{transform_indices = #map}, {transform_indices = #map1}, {transform_indices = #map}]} {
    %mul3A = arith.constant 2 : i32
    %mul3A_0 = arith.muli %arg1, %mul3A : i32
    %add3A = arith.addi %mul3A_0, %arg0 : i32
    %mul3A_1 = arith.constant 64 : i32
    %mul3A_2 = arith.muli %add3A, %mul3A_1 : i32
    %dma_start3A = arith.constant 0 : i32
    %dma_start3A_3 = arith.constant 0 : i32
    %dma_start3A_4 = tpu.memref_slice %arg3[%add3A, %dma_start3A, %dma_start3A_3] : memref<32x8x8xi32, #tpu.memory_space<hbm>> -> memref<1x8x8xi32, #tpu.memory_space<hbm>>
    %dma_start3A_5 = tpu.memref_squeeze %dma_start3A_4 : memref<1x8x8xi32, #tpu.memory_space<hbm>> -> memref<8x8xi32, #tpu.memory_space<hbm>>
    %dma_start3A_6 = arith.constant 0 : i32
    %dma_start3A_7 = arith.constant 0 : i32
    %dma_start3A_8 = tpu.memref_slice %arg3[%add3A, %dma_start3A_6, %dma_start3A_7] : memref<32x8x8xi32, #tpu.memory_space<hbm>> -> memref<1x8x8xi32, #tpu.memory_space<hbm>>
    %dma_start3A_9 = tpu.memref_squeeze %dma_start3A_8 : memref<1x8x8xi32, #tpu.memory_space<hbm>> -> memref<8x8xi32, #tpu.memory_space<hbm>>
    tpu.enqueue_dma source(%dma_start3A_9 : memref<8x8xi32, #tpu.memory_space<hbm>>) target(%arg5 : memref<8x8xi32, #tpu.memory_space<vmem>>) target_semaphore(%arg7 : memref<!tpu.dma_semaphore, #tpu.memory_space<semaphore_mem>>)
    %dma_start3A_10 = arith.constant 0 : i32
    %dma_start3A_11 = tpu.memref_slice %arg2[%mul3A_2, %dma_start3A_10] : memref<2048x768xf32, #tpu.memory_space<hbm>> -> memref<64x768xf32, #tpu.memory_space<hbm>>
    %dma_start3A_12 = arith.constant 0 : i32
    %dma_start3A_13 = tpu.memref_slice %arg2[%mul3A_2, %dma_start3A_12] : memref<2048x768xf32, #tpu.memory_space<hbm>> -> memref<64x768xf32, #tpu.memory_space<hbm>>
    tpu.enqueue_dma source(%dma_start3A_13 : memref<64x768xf32, #tpu.memory_space<hbm>>) target(%arg6 : memref<64x768xf32, #tpu.memory_space<vmem>>) target_semaphore(%arg8 : memref<!tpu.dma_semaphore, #tpu.memory_space<semaphore_mem>>)
    %dma_wait3A = arith.constant 0 : i32
    %dma_wait3A_14 = arith.constant 0 : i32
    %dma_wait3A_15 = tpu.memref_slice %arg3[%add3A, %dma_wait3A, %dma_wait3A_14] : memref<32x8x8xi32, #tpu.memory_space<hbm>> -> memref<1x8x8xi32, #tpu.memory_space<hbm>>
    %dma_wait3A_16 = tpu.memref_squeeze %dma_wait3A_15 : memref<1x8x8xi32, #tpu.memory_space<hbm>> -> memref<8x8xi32, #tpu.memory_space<hbm>>
    %dma_wait3A_17 = arith.constant 0 : i32
    %dma_wait3A_18 = arith.constant 0 : i32
    %dma_wait3A_19 = tpu.memref_slice %arg3[%add3A, %dma_wait3A_17, %dma_wait3A_18] : memref<32x8x8xi32, #tpu.memory_space<hbm>> -> memref<1x8x8xi32, #tpu.memory_space<hbm>>
    %dma_wait3A_20 = tpu.memref_squeeze %dma_wait3A_19 : memref<1x8x8xi32, #tpu.memory_space<hbm>> -> memref<8x8xi32, #tpu.memory_space<hbm>>
    tpu.wait_dma2 semaphore(%arg7 : memref<!tpu.dma_semaphore, #tpu.memory_space<semaphore_mem>>) src(%dma_wait3A_20 : memref<8x8xi32, #tpu.memory_space<hbm>>) dst(%arg5 : memref<8x8xi32, #tpu.memory_space<vmem>>)
    %dma_wait3A_21 = arith.constant 0 : i32
    %dma_wait3A_22 = tpu.memref_slice %arg2[%mul3A_2, %dma_wait3A_21] : memref<2048x768xf32, #tpu.memory_space<hbm>> -> memref<64x768xf32, #tpu.memory_space<hbm>>
    %dma_wait3A_23 = arith.constant 0 : i32
    %dma_wait3A_24 = tpu.memref_slice %arg2[%mul3A_2, %dma_wait3A_23] : memref<2048x768xf32, #tpu.memory_space<hbm>> -> memref<64x768xf32, #tpu.memory_space<hbm>>
    tpu.wait_dma2 semaphore(%arg8 : memref<!tpu.dma_semaphore, #tpu.memory_space<semaphore_mem>>) src(%dma_wait3A_24 : memref<64x768xf32, #tpu.memory_space<hbm>>) dst(%arg6 : memref<64x768xf32, #tpu.memory_space<vmem>>)
    %dma_start3A_25 = arith.constant 0 : i32
    %dma_start3A_26 = arith.constant 0 : i32
    %dma_start3A_27 = arith.constant 0 : i32
    %dma_start3A_28 = tpu.memref_slice %arg6[%dma_start3A_26, %dma_start3A_27] : memref<64x768xf32, #tpu.memory_space<vmem>> -> memref<8x768xf32, #tpu.memory_space<vmem>>
    %dma_start3A_29 = arith.constant 0 : i32
    %dma_start3A_30 = tpu.memref_slice %arg5[%dma_start3A_25, %dma_start3A_29] : memref<8x8xi32, #tpu.memory_space<vmem>> -> memref<1x8xi32, #tpu.memory_space<vmem>>
    %dma_start3A_31 = tpu.memref_squeeze %dma_start3A_30 : memref<1x8xi32, #tpu.memory_space<vmem>> -> memref<8xi32, #tpu.memory_space<vmem>>
    %dma_start3A_32 = arith.constant 0 : i32
    %dma_start3A_33 = arith.constant 0 : i32
    %dma_start3A_34 = tpu.memref_slice %arg4[%dma_start3A_32, %dma_start3A_33] : memref<3072x768xf32, #tpu.memory_space<hbm>> -> memref<3072x768xf32, #tpu.memory_space<hbm>>
    tpu.enqueue_indirect_dma source(%dma_start3A_28 : memref<8x768xf32, #tpu.memory_space<vmem>>) target(%dma_start3A_34 : memref<3072x768xf32, #tpu.memory_space<hbm>>) offsets(%dma_start3A_31 : memref<8xi32, #tpu.memory_space<vmem>>) semaphore(%arg8 : memref<!tpu.dma_semaphore, #tpu.memory_space<semaphore_mem>>)
    %dma_start3A_35 = arith.constant 1 : i32
    %dma_start3A_36 = arith.constant 8 : i32
    %dma_start3A_37 = arith.constant 0 : i32
    %dma_start3A_38 = tpu.memref_slice %arg6[%dma_start3A_36, %dma_start3A_37] : memref<64x768xf32, #tpu.memory_space<vmem>> -> memref<8x768xf32, #tpu.memory_space<vmem>>
    %dma_start3A_39 = arith.constant 0 : i32
    %dma_start3A_40 = tpu.memref_slice %arg5[%dma_start3A_35, %dma_start3A_39] : memref<8x8xi32, #tpu.memory_space<vmem>> -> memref<1x8xi32, #tpu.memory_space<vmem>>
    %dma_start3A_41 = tpu.memref_squeeze %dma_start3A_40 : memref<1x8xi32, #tpu.memory_space<vmem>> -> memref<8xi32, #tpu.memory_space<vmem>>
    %dma_start3A_42 = arith.constant 0 : i32
    %dma_start3A_43 = arith.constant 0 : i32
    %dma_start3A_44 = tpu.memref_slice %arg4[%dma_start3A_42, %dma_start3A_43] : memref<3072x768xf32, #tpu.memory_space<hbm>> -> memref<3072x768xf32, #tpu.memory_space<hbm>>
    tpu.enqueue_indirect_dma source(%dma_start3A_38 : memref<8x768xf32, #tpu.memory_space<vmem>>) target(%dma_start3A_44 : memref<3072x768xf32, #tpu.memory_space<hbm>>) offsets(%dma_start3A_41 : memref<8xi32, #tpu.memory_space<vmem>>) semaphore(%arg8 : memref<!tpu.dma_semaphore, #tpu.memory_space<semaphore_mem>>)
    %dma_start3A_45 = arith.constant 2 : i32
    %dma_start3A_46 = arith.constant 16 : i32
    %dma_start3A_47 = arith.constant 0 : i32
    %dma_start3A_48 = tpu.memref_slice %arg6[%dma_start3A_46, %dma_start3A_47] : memref<64x768xf32, #tpu.memory_space<vmem>> -> memref<8x768xf32, #tpu.memory_space<vmem>>
    %dma_start3A_49 = arith.constant 0 : i32
    %dma_start3A_50 = tpu.memref_slice %arg5[%dma_start3A_45, %dma_start3A_49] : memref<8x8xi32, #tpu.memory_space<vmem>> -> memref<1x8xi32, #tpu.memory_space<vmem>>
    %dma_start3A_51 = tpu.memref_squeeze %dma_start3A_50 : memref<1x8xi32, #tpu.memory_space<vmem>> -> memref<8xi32, #tpu.memory_space<vmem>>
    %dma_start3A_52 = arith.constant 0 : i32
    %dma_start3A_53 = arith.constant 0 : i32
    %dma_start3A_54 = tpu.memref_slice %arg4[%dma_start3A_52, %dma_start3A_53] : memref<3072x768xf32, #tpu.memory_space<hbm>> -> memref<3072x768xf32, #tpu.memory_space<hbm>>
    tpu.enqueue_indirect_dma source(%dma_start3A_48 : memref<8x768xf32, #tpu.memory_space<vmem>>) target(%dma_start3A_54 : memref<3072x768xf32, #tpu.memory_space<hbm>>) offsets(%dma_start3A_51 : memref<8xi32, #tpu.memory_space<vmem>>) semaphore(%arg8 : memref<!tpu.dma_semaphore, #tpu.memory_space<semaphore_mem>>)
    %dma_start3A_55 = arith.constant 3 : i32
    %dma_start3A_56 = arith.constant 24 : i32
    %dma_start3A_57 = arith.constant 0 : i32
    %dma_start3A_58 = tpu.memref_slice %arg6[%dma_start3A_56, %dma_start3A_57] : memref<64x768xf32, #tpu.memory_space<vmem>> -> memref<8x768xf32, #tpu.memory_space<vmem>>
    %dma_start3A_59 = arith.constant 0 : i32
    %dma_start3A_60 = tpu.memref_slice %arg5[%dma_start3A_55, %dma_start3A_59] : memref<8x8xi32, #tpu.memory_space<vmem>> -> memref<1x8xi32, #tpu.memory_space<vmem>>
    %dma_start3A_61 = tpu.memref_squeeze %dma_start3A_60 : memref<1x8xi32, #tpu.memory_space<vmem>> -> memref<8xi32, #tpu.memory_space<vmem>>
    %dma_start3A_62 = arith.constant 0 : i32
    %dma_start3A_63 = arith.constant 0 : i32
    %dma_start3A_64 = tpu.memref_slice %arg4[%dma_start3A_62, %dma_start3A_63] : memref<3072x768xf32, #tpu.memory_space<hbm>> -> memref<3072x768xf32, #tpu.memory_space<hbm>>
    tpu.enqueue_indirect_dma source(%dma_start3A_58 : memref<8x768xf32, #tpu.memory_space<vmem>>) target(%dma_start3A_64 : memref<3072x768xf32, #tpu.memory_space<hbm>>) offsets(%dma_start3A_61 : memref<8xi32, #tpu.memory_space<vmem>>) semaphore(%arg8 : memref<!tpu.dma_semaphore, #tpu.memory_space<semaphore_mem>>)
    %dma_start3A_65 = arith.constant 4 : i32
    %dma_start3A_66 = arith.constant 32 : i32
    %dma_start3A_67 = arith.constant 0 : i32
    %dma_start3A_68 = tpu.memref_slice %arg6[%dma_start3A_66, %dma_start3A_67] : memref<64x768xf32, #tpu.memory_space<vmem>> -> memref<8x768xf32, #tpu.memory_space<vmem>>
    %dma_start3A_69 = arith.constant 0 : i32
    %dma_start3A_70 = tpu.memref_slice %arg5[%dma_start3A_65, %dma_start3A_69] : memref<8x8xi32, #tpu.memory_space<vmem>> -> memref<1x8xi32, #tpu.memory_space<vmem>>
    %dma_start3A_71 = tpu.memref_squeeze %dma_start3A_70 : memref<1x8xi32, #tpu.memory_space<vmem>> -> memref<8xi32, #tpu.memory_space<vmem>>
    %dma_start3A_72 = arith.constant 0 : i32
    %dma_start3A_73 = arith.constant 0 : i32
    %dma_start3A_74 = tpu.memref_slice %arg4[%dma_start3A_72, %dma_start3A_73] : memref<3072x768xf32, #tpu.memory_space<hbm>> -> memref<3072x768xf32, #tpu.memory_space<hbm>>
    tpu.enqueue_indirect_dma source(%dma_start3A_68 : memref<8x768xf32, #tpu.memory_space<vmem>>) target(%dma_start3A_74 : memref<3072x768xf32, #tpu.memory_space<hbm>>) offsets(%dma_start3A_71 : memref<8xi32, #tpu.memory_space<vmem>>) semaphore(%arg8 : memref<!tpu.dma_semaphore, #tpu.memory_space<semaphore_mem>>)
    %dma_start3A_75 = arith.constant 5 : i32
    %dma_start3A_76 = arith.constant 40 : i32
    %dma_start3A_77 = arith.constant 0 : i32
    %dma_start3A_78 = tpu.memref_slice %arg6[%dma_start3A_76, %dma_start3A_77] : memref<64x768xf32, #tpu.memory_space<vmem>> -> memref<8x768xf32, #tpu.memory_space<vmem>>
    %dma_start3A_79 = arith.constant 0 : i32
    %dma_start3A_80 = tpu.memref_slice %arg5[%dma_start3A_75, %dma_start3A_79] : memref<8x8xi32, #tpu.memory_space<vmem>> -> memref<1x8xi32, #tpu.memory_space<vmem>>
    %dma_start3A_81 = tpu.memref_squeeze %dma_start3A_80 : memref<1x8xi32, #tpu.memory_space<vmem>> -> memref<8xi32, #tpu.memory_space<vmem>>
    %dma_start3A_82 = arith.constant 0 : i32
    %dma_start3A_83 = arith.constant 0 : i32
    %dma_start3A_84 = tpu.memref_slice %arg4[%dma_start3A_82, %dma_start3A_83] : memref<3072x768xf32, #tpu.memory_space<hbm>> -> memref<3072x768xf32, #tpu.memory_space<hbm>>
    tpu.enqueue_indirect_dma source(%dma_start3A_78 : memref<8x768xf32, #tpu.memory_space<vmem>>) target(%dma_start3A_84 : memref<3072x768xf32, #tpu.memory_space<hbm>>) offsets(%dma_start3A_81 : memref<8xi32, #tpu.memory_space<vmem>>) semaphore(%arg8 : memref<!tpu.dma_semaphore, #tpu.memory_space<semaphore_mem>>)
    %dma_start3A_85 = arith.constant 6 : i32
    %dma_start3A_86 = arith.constant 48 : i32
    %dma_start3A_87 = arith.constant 0 : i32
    %dma_start3A_88 = tpu.memref_slice %arg6[%dma_start3A_86, %dma_start3A_87] : memref<64x768xf32, #tpu.memory_space<vmem>> -> memref<8x768xf32, #tpu.memory_space<vmem>>
    %dma_start3A_89 = arith.constant 0 : i32
    %dma_start3A_90 = tpu.memref_slice %arg5[%dma_start3A_85, %dma_start3A_89] : memref<8x8xi32, #tpu.memory_space<vmem>> -> memref<1x8xi32, #tpu.memory_space<vmem>>
    %dma_start3A_91 = tpu.memref_squeeze %dma_start3A_90 : memref<1x8xi32, #tpu.memory_space<vmem>> -> memref<8xi32, #tpu.memory_space<vmem>>
    %dma_start3A_92 = arith.constant 0 : i32
    %dma_start3A_93 = arith.constant 0 : i32
    %dma_start3A_94 = tpu.memref_slice %arg4[%dma_start3A_92, %dma_start3A_93] : memref<3072x768xf32, #tpu.memory_space<hbm>> -> memref<3072x768xf32, #tpu.memory_space<hbm>>
    tpu.enqueue_indirect_dma source(%dma_start3A_88 : memref<8x768xf32, #tpu.memory_space<vmem>>) target(%dma_start3A_94 : memref<3072x768xf32, #tpu.memory_space<hbm>>) offsets(%dma_start3A_91 : memref<8xi32, #tpu.memory_space<vmem>>) semaphore(%arg8 : memref<!tpu.dma_semaphore, #tpu.memory_space<semaphore_mem>>)
    %dma_start3A_95 = arith.constant 7 : i32
    %dma_start3A_96 = arith.constant 56 : i32
    %dma_start3A_97 = arith.constant 0 : i32
    %dma_start3A_98 = tpu.memref_slice %arg6[%dma_start3A_96, %dma_start3A_97] : memref<64x768xf32, #tpu.memory_space<vmem>> -> memref<8x768xf32, #tpu.memory_space<vmem>>
    %dma_start3A_99 = arith.constant 0 : i32
    %dma_start3A_100 = tpu.memref_slice %arg5[%dma_start3A_95, %dma_start3A_99] : memref<8x8xi32, #tpu.memory_space<vmem>> -> memref<1x8xi32, #tpu.memory_space<vmem>>
    %dma_start3A_101 = tpu.memref_squeeze %dma_start3A_100 : memref<1x8xi32, #tpu.memory_space<vmem>> -> memref<8xi32, #tpu.memory_space<vmem>>
    %dma_start3A_102 = arith.constant 0 : i32
    %dma_start3A_103 = arith.constant 0 : i32
    %dma_start3A_104 = tpu.memref_slice %arg4[%dma_start3A_102, %dma_start3A_103] : memref<3072x768xf32, #tpu.memory_space<hbm>> -> memref<3072x768xf32, #tpu.memory_space<hbm>>
    tpu.enqueue_indirect_dma source(%dma_start3A_98 : memref<8x768xf32, #tpu.memory_space<vmem>>) target(%dma_start3A_104 : memref<3072x768xf32, #tpu.memory_space<hbm>>) offsets(%dma_start3A_101 : memref<8xi32, #tpu.memory_space<vmem>>) semaphore(%arg8 : memref<!tpu.dma_semaphore, #tpu.memory_space<semaphore_mem>>)
    %dma_wait3A_105 = arith.constant 0 : i32
    %dma_wait3A_106 = arith.constant 0 : i32
    %dma_wait3A_107 = arith.constant 0 : i32
    %dma_wait3A_108 = tpu.memref_slice %arg6[%dma_wait3A_106, %dma_wait3A_107] : memref<64x768xf32, #tpu.memory_space<vmem>> -> memref<8x768xf32, #tpu.memory_space<vmem>>
    %dma_wait3A_109 = arith.constant 0 : i32
    %dma_wait3A_110 = tpu.memref_slice %arg5[%dma_wait3A_105, %dma_wait3A_109] : memref<8x8xi32, #tpu.memory_space<vmem>> -> memref<1x8xi32, #tpu.memory_space<vmem>>
    %dma_wait3A_111 = tpu.memref_squeeze %dma_wait3A_110 : memref<1x8xi32, #tpu.memory_space<vmem>> -> memref<8xi32, #tpu.memory_space<vmem>>
    %dma_wait3A_112 = arith.constant 0 : i32
    %dma_wait3A_113 = arith.constant 0 : i32
    %dma_wait3A_114 = tpu.memref_slice %arg4[%dma_wait3A_112, %dma_wait3A_113] : memref<3072x768xf32, #tpu.memory_space<hbm>> -> memref<3072x768xf32, #tpu.memory_space<hbm>>
    tpu.wait_indirect_dma semaphore(%arg8 : memref<!tpu.dma_semaphore, #tpu.memory_space<semaphore_mem>>) src(%dma_wait3A_108 : memref<8x768xf32, #tpu.memory_space<vmem>>) dst(%dma_wait3A_114 : memref<3072x768xf32, #tpu.memory_space<hbm>>)
    %dma_wait3A_115 = arith.constant 1 : i32
    %dma_wait3A_116 = arith.constant 8 : i32
    %dma_wait3A_117 = arith.constant 0 : i32
    %dma_wait3A_118 = tpu.memref_slice %arg6[%dma_wait3A_116, %dma_wait3A_117] : memref<64x768xf32, #tpu.memory_space<vmem>> -> memref<8x768xf32, #tpu.memory_space<vmem>>
    %dma_wait3A_119 = arith.constant 0 : i32
    %dma_wait3A_120 = tpu.memref_slice %arg5[%dma_wait3A_115, %dma_wait3A_119] : memref<8x8xi32, #tpu.memory_space<vmem>> -> memref<1x8xi32, #tpu.memory_space<vmem>>
    %dma_wait3A_121 = tpu.memref_squeeze %dma_wait3A_120 : memref<1x8xi32, #tpu.memory_space<vmem>> -> memref<8xi32, #tpu.memory_space<vmem>>
    %dma_wait3A_122 = arith.constant 0 : i32
    %dma_wait3A_123 = arith.constant 0 : i32
    %dma_wait3A_124 = tpu.memref_slice %arg4[%dma_wait3A_122, %dma_wait3A_123] : memref<3072x768xf32, #tpu.memory_space<hbm>> -> memref<3072x768xf32, #tpu.memory_space<hbm>>
    tpu.wait_indirect_dma semaphore(%arg8 : memref<!tpu.dma_semaphore, #tpu.memory_space<semaphore_mem>>) src(%dma_wait3A_118 : memref<8x768xf32, #tpu.memory_space<vmem>>) dst(%dma_wait3A_124 : memref<3072x768xf32, #tpu.memory_space<hbm>>)
    %dma_wait3A_125 = arith.constant 2 : i32
    %dma_wait3A_126 = arith.constant 16 : i32
    %dma_wait3A_127 = arith.constant 0 : i32
    %dma_wait3A_128 = tpu.memref_slice %arg6[%dma_wait3A_126, %dma_wait3A_127] : memref<64x768xf32, #tpu.memory_space<vmem>> -> memref<8x768xf32, #tpu.memory_space<vmem>>
    %dma_wait3A_129 = arith.constant 0 : i32
    %dma_wait3A_130 = tpu.memref_slice %arg5[%dma_wait3A_125, %dma_wait3A_129] : memref<8x8xi32, #tpu.memory_space<vmem>> -> memref<1x8xi32, #tpu.memory_space<vmem>>
    %dma_wait3A_131 = tpu.memref_squeeze %dma_wait3A_130 : memref<1x8xi32, #tpu.memory_space<vmem>> -> memref<8xi32, #tpu.memory_space<vmem>>
    %dma_wait3A_132 = arith.constant 0 : i32
    %dma_wait3A_133 = arith.constant 0 : i32
    %dma_wait3A_134 = tpu.memref_slice %arg4[%dma_wait3A_132, %dma_wait3A_133] : memref<3072x768xf32, #tpu.memory_space<hbm>> -> memref<3072x768xf32, #tpu.memory_space<hbm>>
    tpu.wait_indirect_dma semaphore(%arg8 : memref<!tpu.dma_semaphore, #tpu.memory_space<semaphore_mem>>) src(%dma_wait3A_128 : memref<8x768xf32, #tpu.memory_space<vmem>>) dst(%dma_wait3A_134 : memref<3072x768xf32, #tpu.memory_space<hbm>>)
    %dma_wait3A_135 = arith.constant 3 : i32
    %dma_wait3A_136 = arith.constant 24 : i32
    %dma_wait3A_137 = arith.constant 0 : i32
    %dma_wait3A_138 = tpu.memref_slice %arg6[%dma_wait3A_136, %dma_wait3A_137] : memref<64x768xf32, #tpu.memory_space<vmem>> -> memref<8x768xf32, #tpu.memory_space<vmem>>
    %dma_wait3A_139 = arith.constant 0 : i32
    %dma_wait3A_140 = tpu.memref_slice %arg5[%dma_wait3A_135, %dma_wait3A_139] : memref<8x8xi32, #tpu.memory_space<vmem>> -> memref<1x8xi32, #tpu.memory_space<vmem>>
    %dma_wait3A_141 = tpu.memref_squeeze %dma_wait3A_140 : memref<1x8xi32, #tpu.memory_space<vmem>> -> memref<8xi32, #tpu.memory_space<vmem>>
    %dma_wait3A_142 = arith.constant 0 : i32
    %dma_wait3A_143 = arith.constant 0 : i32
    %dma_wait3A_144 = tpu.memref_slice %arg4[%dma_wait3A_142, %dma_wait3A_143] : memref<3072x768xf32, #tpu.memory_space<hbm>> -> memref<3072x768xf32, #tpu.memory_space<hbm>>
    tpu.wait_indirect_dma semaphore(%arg8 : memref<!tpu.dma_semaphore, #tpu.memory_space<semaphore_mem>>) src(%dma_wait3A_138 : memref<8x768xf32, #tpu.memory_space<vmem>>) dst(%dma_wait3A_144 : memref<3072x768xf32, #tpu.memory_space<hbm>>)
    %dma_wait3A_145 = arith.constant 4 : i32
    %dma_wait3A_146 = arith.constant 32 : i32
    %dma_wait3A_147 = arith.constant 0 : i32
    %dma_wait3A_148 = tpu.memref_slice %arg6[%dma_wait3A_146, %dma_wait3A_147] : memref<64x768xf32, #tpu.memory_space<vmem>> -> memref<8x768xf32, #tpu.memory_space<vmem>>
    %dma_wait3A_149 = arith.constant 0 : i32
    %dma_wait3A_150 = tpu.memref_slice %arg5[%dma_wait3A_145, %dma_wait3A_149] : memref<8x8xi32, #tpu.memory_space<vmem>> -> memref<1x8xi32, #tpu.memory_space<vmem>>
    %dma_wait3A_151 = tpu.memref_squeeze %dma_wait3A_150 : memref<1x8xi32, #tpu.memory_space<vmem>> -> memref<8xi32, #tpu.memory_space<vmem>>
    %dma_wait3A_152 = arith.constant 0 : i32
    %dma_wait3A_153 = arith.constant 0 : i32
    %dma_wait3A_154 = tpu.memref_slice %arg4[%dma_wait3A_152, %dma_wait3A_153] : memref<3072x768xf32, #tpu.memory_space<hbm>> -> memref<3072x768xf32, #tpu.memory_space<hbm>>
    tpu.wait_indirect_dma semaphore(%arg8 : memref<!tpu.dma_semaphore, #tpu.memory_space<semaphore_mem>>) src(%dma_wait3A_148 : memref<8x768xf32, #tpu.memory_space<vmem>>) dst(%dma_wait3A_154 : memref<3072x768xf32, #tpu.memory_space<hbm>>)
    %dma_wait3A_155 = arith.constant 5 : i32
    %dma_wait3A_156 = arith.constant 40 : i32
    %dma_wait3A_157 = arith.constant 0 : i32
    %dma_wait3A_158 = tpu.memref_slice %arg6[%dma_wait3A_156, %dma_wait3A_157] : memref<64x768xf32, #tpu.memory_space<vmem>> -> memref<8x768xf32, #tpu.memory_space<vmem>>
    %dma_wait3A_159 = arith.constant 0 : i32
    %dma_wait3A_160 = tpu.memref_slice %arg5[%dma_wait3A_155, %dma_wait3A_159] : memref<8x8xi32, #tpu.memory_space<vmem>> -> memref<1x8xi32, #tpu.memory_space<vmem>>
    %dma_wait3A_161 = tpu.memref_squeeze %dma_wait3A_160 : memref<1x8xi32, #tpu.memory_space<vmem>> -> memref<8xi32, #tpu.memory_space<vmem>>
    %dma_wait3A_162 = arith.constant 0 : i32
    %dma_wait3A_163 = arith.constant 0 : i32
    %dma_wait3A_164 = tpu.memref_slice %arg4[%dma_wait3A_162, %dma_wait3A_163] : memref<3072x768xf32, #tpu.memory_space<hbm>> -> memref<3072x768xf32, #tpu.memory_space<hbm>>
    tpu.wait_indirect_dma semaphore(%arg8 : memref<!tpu.dma_semaphore, #tpu.memory_space<semaphore_mem>>) src(%dma_wait3A_158 : memref<8x768xf32, #tpu.memory_space<vmem>>) dst(%dma_wait3A_164 : memref<3072x768xf32, #tpu.memory_space<hbm>>)
    %dma_wait3A_165 = arith.constant 6 : i32
    %dma_wait3A_166 = arith.constant 48 : i32
    %dma_wait3A_167 = arith.constant 0 : i32
    %dma_wait3A_168 = tpu.memref_slice %arg6[%dma_wait3A_166, %dma_wait3A_167] : memref<64x768xf32, #tpu.memory_space<vmem>> -> memref<8x768xf32, #tpu.memory_space<vmem>>
    %dma_wait3A_169 = arith.constant 0 : i32
    %dma_wait3A_170 = tpu.memref_slice %arg5[%dma_wait3A_165, %dma_wait3A_169] : memref<8x8xi32, #tpu.memory_space<vmem>> -> memref<1x8xi32, #tpu.memory_space<vmem>>
    %dma_wait3A_171 = tpu.memref_squeeze %dma_wait3A_170 : memref<1x8xi32, #tpu.memory_space<vmem>> -> memref<8xi32, #tpu.memory_space<vmem>>
    %dma_wait3A_172 = arith.constant 0 : i32
    %dma_wait3A_173 = arith.constant 0 : i32
    %dma_wait3A_174 = tpu.memref_slice %arg4[%dma_wait3A_172, %dma_wait3A_173] : memref<3072x768xf32, #tpu.memory_space<hbm>> -> memref<3072x768xf32, #tpu.memory_space<hbm>>
    tpu.wait_indirect_dma semaphore(%arg8 : memref<!tpu.dma_semaphore, #tpu.memory_space<semaphore_mem>>) src(%dma_wait3A_168 : memref<8x768xf32, #tpu.memory_space<vmem>>) dst(%dma_wait3A_174 : memref<3072x768xf32, #tpu.memory_space<hbm>>)
    %dma_wait3A_175 = arith.constant 7 : i32
    %dma_wait3A_176 = arith.constant 56 : i32
    %dma_wait3A_177 = arith.constant 0 : i32
    %dma_wait3A_178 = tpu.memref_slice %arg6[%dma_wait3A_176, %dma_wait3A_177] : memref<64x768xf32, #tpu.memory_space<vmem>> -> memref<8x768xf32, #tpu.memory_space<vmem>>
    %dma_wait3A_179 = arith.constant 0 : i32
    %dma_wait3A_180 = tpu.memref_slice %arg5[%dma_wait3A_175, %dma_wait3A_179] : memref<8x8xi32, #tpu.memory_space<vmem>> -> memref<1x8xi32, #tpu.memory_space<vmem>>
    %dma_wait3A_181 = tpu.memref_squeeze %dma_wait3A_180 : memref<1x8xi32, #tpu.memory_space<vmem>> -> memref<8xi32, #tpu.memory_space<vmem>>
    %dma_wait3A_182 = arith.constant 0 : i32
    %dma_wait3A_183 = arith.constant 0 : i32
    %dma_wait3A_184 = tpu.memref_slice %arg4[%dma_wait3A_182, %dma_wait3A_183] : memref<3072x768xf32, #tpu.memory_space<hbm>> -> memref<3072x768xf32, #tpu.memory_space<hbm>>
    tpu.wait_indirect_dma semaphore(%arg8 : memref<!tpu.dma_semaphore, #tpu.memory_space<semaphore_mem>>) src(%dma_wait3A_178 : memref<8x768xf32, #tpu.memory_space<vmem>>) dst(%dma_wait3A_184 : memref<3072x768xf32, #tpu.memory_space<hbm>>)
    return
  }
}

module attributes {stable_mosaic.version = 14 : i64} {
  func.func @_router_meta_body(%arg0: memref<2048x768xf32, #tpu.memory_space<vmem>>, %arg1: memref<768x8xf32, #tpu.memory_space<vmem>>, %arg2: memref<32x8x8xi32, #tpu.memory_space<vmem>>, %arg3: memref<24xi32, #tpu.memory_space<vmem>>) attributes {dimension_semantics = [], scalar_prefetch = 0 : i64, scratch_operands = 0 : i64, tpu.core_type = #tpu.core_type<tc>} {
    %get3A = arith.constant 0 : index
    %get3A_0 = arith.constant 0 : index
    %get3A_1 = vector.load %arg0[%get3A, %get3A_0] : memref<2048x768xf32, #tpu.memory_space<vmem>>, vector<2048x768xf32>
    %get3A_2 = arith.constant 0 : index
    %get3A_3 = arith.constant 0 : index
    %get3A_4 = vector.load %arg1[%get3A_2, %get3A_3] : memref<768x8xf32, #tpu.memory_space<vmem>>, vector<768x8xf32>
    %dot_general3A = arith.constant dense<0.000000e+00> : vector<2048x8xf32>
    %dot_general3A_5 = tpu.matmul %get3A_1, %get3A_4, %dot_general3A {dimension_numbers = #tpu.dot_dimension_numbers<[1], [0], [0], [1], [0, 0, 1, 1], [], []>, transpose_lhs_hint = false} : vector<2048x768xf32>, vector<768x8xf32>, vector<2048x8xf32> -> vector<2048x8xf32>
    %reduce_max3A = arith.constant dense<0xFF800000> : vector<2048xf32>
    %reduce_max3A_6 = vector.multi_reduction <maximumf>, %dot_general3A_5, %reduce_max3A [1] : vector<2048x8xf32> to vector<2048xf32>
    %broadcast_in_dim3A = vector.shape_cast %reduce_max3A_6 : vector<2048xf32> to vector<2048x1xf32>
    %iota3A = tpu.iota {dimensions = array<i32: 1>} : vector<2048x8xi32>
    %ge3A = vector.broadcast %broadcast_in_dim3A : vector<2048x1xf32> to vector<2048x8xf32>
    %ge3A_7 = arith.cmpf oge, %dot_general3A_5, %ge3A : vector<2048x8xf32>
    %jit3A = arith.constant 8 : i32
    %broadcast_in_dim3A_8 = vector.broadcast %jit3A : i32 to vector<2048x8xi32>
    %select_n3A = arith.select %ge3A_7, %iota3A, %broadcast_in_dim3A_8 : vector<2048x8xi1>, vector<2048x8xi32>
    %reduce_min3A = arith.constant dense<2147483647> : vector<2048xi32>
    %reduce_min3A_9 = vector.multi_reduction <minsi>, %select_n3A, %reduce_min3A [1] : vector<2048x8xi32> to vector<2048xi32>
    %broadcast_in_dim3A_10 = vector.shape_cast %reduce_min3A_9 : vector<2048xi32> to vector<2048x1xi32>
    %eq3A = vector.broadcast %broadcast_in_dim3A_10 : vector<2048x1xi32> to vector<2048x8xi32>
    %eq3A_11 = arith.cmpi eq, %eq3A, %iota3A : vector<2048x8xi32>
    %convert_element_type3A = arith.extui %eq3A_11 : vector<2048x8xi1> to vector<2048x8xi32>
    %convert_element_type3A_12 = arith.sitofp %convert_element_type3A : vector<2048x8xi32> to vector<2048x8xf32>
    %reduce_sum3A = arith.constant dense<0.000000e+00> : vector<8xf32>
    %reduce_sum3A_13 = vector.multi_reduction <add>, %convert_element_type3A_12, %reduce_sum3A [0] : vector<2048x8xf32> to vector<8xf32>
    %convert_element_type3A_14 = arith.fptosi %reduce_sum3A_13 : vector<8xf32> to vector<8xi32>
    %iota3A_15 = tpu.iota {dimensions = array<i32: 0>} : vector<2048x2048xi32>
    %iota3A_16 = tpu.iota {dimensions = array<i32: 1>} : vector<2048x2048xi32>
    %lt3A = arith.cmpi slt, %iota3A_16, %iota3A_15 : vector<2048x2048xi32>
    %convert_element_type3A_17 = arith.extui %lt3A : vector<2048x2048xi1> to vector<2048x2048xi32>
    %convert_element_type3A_18 = arith.sitofp %convert_element_type3A_17 : vector<2048x2048xi32> to vector<2048x2048xf32>
    %dot_general3A_19 = arith.constant dense<0.000000e+00> : vector<2048x8xf32>
    %dot_general3A_20 = tpu.matmul %convert_element_type3A_18, %convert_element_type3A_12, %dot_general3A_19 {dimension_numbers = #tpu.dot_dimension_numbers<[1], [0], [0], [1], [0, 0, 1, 1], [], []>, transpose_lhs_hint = false} : vector<2048x2048xf32>, vector<2048x8xf32>, vector<2048x8xf32> -> vector<2048x8xf32>
    %mul3A = arith.mulf %dot_general3A_20, %convert_element_type3A_12 : vector<2048x8xf32>
    %reduce_sum3A_21 = arith.constant dense<0.000000e+00> : vector<2048xf32>
    %reduce_sum3A_22 = vector.multi_reduction <add>, %mul3A, %reduce_sum3A_21 [1] : vector<2048x8xf32> to vector<2048xf32>
    %add3A = arith.constant 128 : i32
    %add3A_23 = vector.broadcast %add3A : i32 to vector<8xi32>
    %add3A_24 = arith.addi %convert_element_type3A_14, %add3A_23 : vector<8xi32>
    %sub3A = arith.constant 1 : i32
    %sub3A_25 = vector.broadcast %sub3A : i32 to vector<8xi32>
    %sub3A_26 = arith.subi %add3A_24, %sub3A_25 : vector<8xi32>
    %jit3A_27 = arith.constant 128 : i32
    %div3A = vector.broadcast %jit3A_27 : i32 to vector<8xi32>
    %div3A_28 = arith.divsi %sub3A_26, %div3A : vector<8xi32>
    %sign3A = arith.constant 0 : i32
    %sign3A_29 = vector.broadcast %sign3A : i32 to vector<8xi32>
    %sign3A_30 = arith.cmpi sgt, %sub3A_26, %sign3A_29 : vector<8xi32>
    %sign3A_31 = arith.extui %sign3A_30 : vector<8xi1> to vector<8xi32>
    %sign3A_32 = arith.constant 0 : i32
    %sign3A_33 = vector.broadcast %sign3A_32 : i32 to vector<8xi32>
    %sign3A_34 = arith.cmpi slt, %sub3A_26, %sign3A_33 : vector<8xi32>
    %sign3A_35 = arith.extui %sign3A_34 : vector<8xi1> to vector<8xi32>
    %sign3A_36 = arith.subi %sign3A_31, %sign3A_35 : vector<8xi32>
    %sign3A_37 = arith.constant 0 : i32
    %sign3A_38 = arith.cmpi sgt, %jit3A_27, %sign3A_37 : i32
    %sign3A_39 = arith.extui %sign3A_38 : i1 to i32
    %sign3A_40 = arith.constant 0 : i32
    %sign3A_41 = arith.cmpi slt, %jit3A_27, %sign3A_40 : i32
    %sign3A_42 = arith.extui %sign3A_41 : i1 to i32
    %sign3A_43 = arith.subi %sign3A_39, %sign3A_42 : i32
    %ne3A = vector.broadcast %sign3A_43 : i32 to vector<8xi32>
    %ne3A_44 = arith.cmpi ne, %sign3A_36, %ne3A : vector<8xi32>
    %rem3A = vector.broadcast %jit3A_27 : i32 to vector<8xi32>
    %rem3A_45 = arith.remsi %sub3A_26, %rem3A : vector<8xi32>
    %ne3A_46 = arith.constant 0 : i32
    %ne3A_47 = vector.broadcast %ne3A_46 : i32 to vector<8xi32>
    %ne3A_48 = arith.cmpi ne, %rem3A_45, %ne3A_47 : vector<8xi32>
    %and3A = arith.andi %ne3A_44, %ne3A_48 : vector<8xi1>
    %sub3A_49 = arith.constant 1 : i32
    %sub3A_50 = vector.broadcast %sub3A_49 : i32 to vector<8xi32>
    %sub3A_51 = arith.subi %div3A_28, %sub3A_50 : vector<8xi32>
    %select_n3A_52 = arith.select %and3A, %sub3A_51, %div3A_28 : vector<8xi1>, vector<8xi32>
    %mul3A_53 = arith.constant 128 : i32
    %mul3A_54 = vector.broadcast %mul3A_53 : i32 to vector<8xi32>
    %mul3A_55 = arith.muli %select_n3A_52, %mul3A_54 : vector<8xi32>
    %convert_element_type3A_56 = arith.sitofp %mul3A_55 : vector<8xi32> to vector<8xf32>
    %iota3A_57 = tpu.iota {dimensions = array<i32: 0>} : vector<8x8xi32>
    %iota3A_58 = tpu.iota {dimensions = array<i32: 1>} : vector<8x8xi32>
    %lt3A_59 = arith.cmpi slt, %iota3A_57, %iota3A_58 : vector<8x8xi32>
    %convert_element_type3A_60 = arith.extui %lt3A_59 : vector<8x8xi1> to vector<8x8xi32>
    %convert_element_type3A_61 = arith.sitofp %convert_element_type3A_60 : vector<8x8xi32> to vector<8x8xf32>
    %broadcast_in_dim3A_62 = vector.shape_cast %convert_element_type3A_56 : vector<8xf32> to vector<1x8xf32>
    %dot_general3A_63 = arith.constant dense<0.000000e+00> : vector<1x8xf32>
    %dot_general3A_64 = tpu.matmul %broadcast_in_dim3A_62, %convert_element_type3A_61, %dot_general3A_63 {dimension_numbers = #tpu.dot_dimension_numbers<[1], [0], [0], [1], [0, 0, 1, 1], [], []>, transpose_lhs_hint = false} : vector<1x8xf32>, vector<8x8xf32>, vector<1x8xf32> -> vector<1x8xf32>
    %squeeze3A = vector.shape_cast %dot_general3A_64 : vector<1x8xf32> to vector<8xf32>
    %add3A_65 = arith.addf %squeeze3A, %convert_element_type3A_56 : vector<8xf32>
    %broadcast_in_dim3A_66 = vector.shape_cast %squeeze3A : vector<8xf32> to vector<1x8xf32>
    %mul3A_67 = vector.broadcast %broadcast_in_dim3A_66 : vector<1x8xf32> to vector<2048x8xf32>
    %mul3A_68 = arith.mulf %convert_element_type3A_12, %mul3A_67 : vector<2048x8xf32>
    %reduce_sum3A_69 = arith.constant dense<0.000000e+00> : vector<2048xf32>
    %reduce_sum3A_70 = vector.multi_reduction <add>, %mul3A_68, %reduce_sum3A_69 [1] : vector<2048x8xf32> to vector<2048xf32>
    %add3A_71 = arith.addf %reduce_sum3A_70, %reduce_sum3A_22 : vector<2048xf32>
    %convert_element_type3A_72 = arith.fptosi %add3A_71 : vector<2048xf32> to vector<2048xi32>
    %reshape3A = vector.shape_cast %convert_element_type3A_72 : vector<2048xi32> to vector<32x8x8xi32>
    %swap3A = arith.constant 0 : index
    %swap3A_73 = arith.constant 0 : index
    %swap3A_74 = arith.constant 0 : index
    %swap3A_75 = vector.load %arg2[%swap3A, %swap3A_73, %swap3A_74] : memref<32x8x8xi32, #tpu.memory_space<vmem>>, vector<32x8x8xi32>
    tpu.vector_store %arg2[%swap3A, %swap3A_73, %swap3A_74], %reshape3A {strides = array<i32>} : memref<32x8x8xi32, #tpu.memory_space<vmem>>, vector<32x8x8xi32>,
    %iota3A_76 = tpu.iota {dimensions = array<i32: 0>} : vector<24x8xi32>
    %mul3A_77 = arith.constant 128 : i32
    %mul3A_78 = vector.broadcast %mul3A_77 : i32 to vector<24x8xi32>
    %mul3A_79 = arith.muli %iota3A_76, %mul3A_78 : vector<24x8xi32>
    %convert_element_type3A_80 = arith.sitofp %mul3A_79 : vector<24x8xi32> to vector<24x8xf32>
    %broadcast_in_dim3A_81 = vector.shape_cast %add3A_65 : vector<8xf32> to vector<1x8xf32>
    %ge3A_82 = vector.broadcast %broadcast_in_dim3A_81 : vector<1x8xf32> to vector<24x8xf32>
    %ge3A_83 = arith.cmpf oge, %convert_element_type3A_80, %ge3A_82 : vector<24x8xf32>
    %convert_element_type3A_84 = arith.extui %ge3A_83 : vector<24x8xi1> to vector<24x8xi32>
    %reduce_sum3A_85 = arith.constant dense<0> : vector<24xi32>
    %reduce_sum3A_86 = vector.multi_reduction <add>, %convert_element_type3A_84, %reduce_sum3A_85 [1] : vector<24x8xi32> to vector<24xi32>
    %min3A = arith.constant 7 : i32
    %min3A_87 = vector.broadcast %min3A : i32 to vector<24xi32>
    %min3A_88 = arith.minsi %reduce_sum3A_86, %min3A_87 : vector<24xi32>
    %swap3A_89 = arith.constant 0 : index
    %swap3A_90 = vector.load %arg3[%swap3A_89] : memref<24xi32, #tpu.memory_space<vmem>>, vector<24xi32>
    tpu.vector_store %arg3[%swap3A_89], %min3A_88 {strides = array<i32>} : memref<24xi32, #tpu.memory_space<vmem>>, vector<24xi32>,
    return
  }
}

module attributes {stable_mosaic.version = 14 : i64} {
  func.func @_ffn_body(%arg0: i32, %arg1: memref<24xi32, #tpu.memory_space<smem>>, %arg2: memref<128x768xf32, #tpu.memory_space<vmem>>, %arg3: memref<1x768x3072xf32, #tpu.memory_space<vmem>>, %arg4: memref<1x1x3072xf32, #tpu.memory_space<vmem>>, %arg5: memref<1x3072x768xf32, #tpu.memory_space<vmem>>, %arg6: memref<1x1x768xf32, #tpu.memory_space<vmem>>, %arg7: memref<128x768xf32, #tpu.memory_space<vmem>>) attributes {dimension_semantics = [#tpu.dimension_semantics<arbitrary>], iteration_bounds = array<i64: 24>, scalar_prefetch = 1 : i64, scratch_operands = 0 : i64, tpu.core_type = #tpu.core_type<tc>, window_params = [{transform_indices = @transform_0, window_bounds = array<i64: 128, 768>}, {transform_indices = @transform_1, window_bounds = array<i64: 1, 768, 3072>}, {transform_indices = @transform_2, window_bounds = array<i64: 1, 1, 3072>}, {transform_indices = @transform_3, window_bounds = array<i64: 1, 3072, 768>}, {transform_indices = @transform_4, window_bounds = array<i64: 1, 1, 768>}, {transform_indices = @transform_5, window_bounds = array<i64: 128, 768>}]} {
    %get3A = arith.constant 0 : index
    %get3A_0 = arith.constant 0 : index
    %get3A_1 = vector.load %arg2[%get3A, %get3A_0] : memref<128x768xf32, #tpu.memory_space<vmem>>, vector<128x768xf32>
    %get3A_2 = arith.constant 0 : index
    %get3A_3 = arith.constant 0 : index
    %get3A_4 = arith.constant 0 : index
    %get3A_5 = vector.load %arg3[%get3A_2, %get3A_3, %get3A_4] : memref<1x768x3072xf32, #tpu.memory_space<vmem>>, vector<1x768x3072xf32>
    %get3A_6 = vector.shape_cast %get3A_5 : vector<1x768x3072xf32> to vector<768x3072xf32>
    %dot_general3A = arith.constant dense<0.000000e+00> : vector<128x3072xf32>
    %dot_general3A_7 = tpu.matmul %get3A_1, %get3A_6, %dot_general3A {dimension_numbers = #tpu.dot_dimension_numbers<[1], [0], [0], [1], [0, 0, 1, 1], [], []>, transpose_lhs_hint = false} : vector<128x768xf32>, vector<768x3072xf32>, vector<128x3072xf32> -> vector<128x3072xf32>
    %get3A_8 = arith.constant 0 : index
    %get3A_9 = arith.constant 0 : index
    %get3A_10 = arith.constant 0 : index
    %get3A_11 = vector.load %arg4[%get3A_8, %get3A_9, %get3A_10] : memref<1x1x3072xf32, #tpu.memory_space<vmem>>, vector<1x1x3072xf32>
    %get3A_12 = vector.shape_cast %get3A_11 : vector<1x1x3072xf32> to vector<1x3072xf32>
    %add3A = vector.broadcast %get3A_12 : vector<1x3072xf32> to vector<128x3072xf32>
    %add3A_13 = arith.addf %dot_general3A_7, %add3A : vector<128x3072xf32>
    %integer_pow3A = arith.mulf %add3A_13, %add3A_13 : vector<128x3072xf32>
    %integer_pow3A_14 = arith.mulf %add3A_13, %integer_pow3A : vector<128x3072xf32>
    %mul3A = arith.constant 4.471500e-02 : f32
    %mul3A_15 = vector.broadcast %mul3A : f32 to vector<128x3072xf32>
    %mul3A_16 = arith.mulf %mul3A_15, %integer_pow3A_14 : vector<128x3072xf32>
    %add3A_17 = arith.addf %add3A_13, %mul3A_16 : vector<128x3072xf32>
    %mul3A_18 = arith.constant 0.797884583 : f32
    %mul3A_19 = vector.broadcast %mul3A_18 : f32 to vector<128x3072xf32>
    %mul3A_20 = arith.mulf %mul3A_19, %add3A_17 : vector<128x3072xf32>
    %tanh3A = math.tanh %mul3A_20 : vector<128x3072xf32>
    %add3A_21 = arith.constant 1.000000e+00 : f32
    %add3A_22 = vector.broadcast %add3A_21 : f32 to vector<128x3072xf32>
    %add3A_23 = arith.addf %add3A_22, %tanh3A : vector<128x3072xf32>
    %mul3A_24 = arith.constant 5.000000e-01 : f32
    %mul3A_25 = vector.broadcast %mul3A_24 : f32 to vector<128x3072xf32>
    %mul3A_26 = arith.mulf %mul3A_25, %add3A_23 : vector<128x3072xf32>
    %mul3A_27 = arith.mulf %add3A_13, %mul3A_26 : vector<128x3072xf32>
    %get3A_28 = arith.constant 0 : index
    %get3A_29 = arith.constant 0 : index
    %get3A_30 = arith.constant 0 : index
    %get3A_31 = vector.load %arg5[%get3A_28, %get3A_29, %get3A_30] : memref<1x3072x768xf32, #tpu.memory_space<vmem>>, vector<1x3072x768xf32>
    %get3A_32 = vector.shape_cast %get3A_31 : vector<1x3072x768xf32> to vector<3072x768xf32>
    %dot_general3A_33 = arith.constant dense<0.000000e+00> : vector<128x768xf32>
    %dot_general3A_34 = tpu.matmul %mul3A_27, %get3A_32, %dot_general3A_33 {dimension_numbers = #tpu.dot_dimension_numbers<[1], [0], [0], [1], [0, 0, 1, 1], [], []>, transpose_lhs_hint = false} : vector<128x3072xf32>, vector<3072x768xf32>, vector<128x768xf32> -> vector<128x768xf32>
    %get3A_35 = arith.constant 0 : index
    %get3A_36 = arith.constant 0 : index
    %get3A_37 = arith.constant 0 : index
    %get3A_38 = vector.load %arg6[%get3A_35, %get3A_36, %get3A_37] : memref<1x1x768xf32, #tpu.memory_space<vmem>>, vector<1x1x768xf32>
    %get3A_39 = vector.shape_cast %get3A_38 : vector<1x1x768xf32> to vector<1x768xf32>
    %add3A_40 = vector.broadcast %get3A_39 : vector<1x768xf32> to vector<128x768xf32>
    %add3A_41 = arith.addf %dot_general3A_34, %add3A_40 : vector<128x768xf32>
    %swap3A = arith.constant 0 : index
    %swap3A_42 = arith.constant 0 : index
    %swap3A_43 = vector.load %arg7[%swap3A, %swap3A_42] : memref<128x768xf32, #tpu.memory_space<vmem>>, vector<128x768xf32>
    tpu.vector_store %arg7[%swap3A, %swap3A_42], %add3A_41 {strides = array<i32>} : memref<128x768xf32, #tpu.memory_space<vmem>>, vector<128x768xf32>,
    return
  }
  func.func @transform_0(%arg0: i32, %arg1: memref<24xi32, #tpu.memory_space<smem>>) -> (i32, i32) {
    %c0_i32 = arith.constant 0 : i32
    %c0_i32_0 = arith.constant 0 : i32
    return %arg0, %c0_i32 : i32, i32
  }
  func.func @transform_1(%arg0: i32, %arg1: memref<24xi32, #tpu.memory_space<smem>>) -> (i32, i32, i32) {
    %get3A = arith.index_cast %arg0 : i32 to index
    %get3A_0 = memref.load %arg1[%get3A] : memref<24xi32, #tpu.memory_space<smem>>
    %c0_i32 = arith.constant 0 : i32
    %c0_i32_1 = arith.constant 0 : i32
    %c0_i32_2 = arith.constant 0 : i32
    return %get3A_0, %c0_i32, %c0_i32_1 : i32, i32, i32
  }
  func.func @transform_2(%arg0: i32, %arg1: memref<24xi32, #tpu.memory_space<smem>>) -> (i32, i32, i32) {
    %get3A = arith.index_cast %arg0 : i32 to index
    %get3A_0 = memref.load %arg1[%get3A] : memref<24xi32, #tpu.memory_space<smem>>
    %c0_i32 = arith.constant 0 : i32
    %c0_i32_1 = arith.constant 0 : i32
    %c0_i32_2 = arith.constant 0 : i32
    return %get3A_0, %c0_i32, %c0_i32_1 : i32, i32, i32
  }
  func.func @transform_3(%arg0: i32, %arg1: memref<24xi32, #tpu.memory_space<smem>>) -> (i32, i32, i32) {
    %get3A = arith.index_cast %arg0 : i32 to index
    %get3A_0 = memref.load %arg1[%get3A] : memref<24xi32, #tpu.memory_space<smem>>
    %c0_i32 = arith.constant 0 : i32
    %c0_i32_1 = arith.constant 0 : i32
    %c0_i32_2 = arith.constant 0 : i32
    return %get3A_0, %c0_i32, %c0_i32_1 : i32, i32, i32
  }
  func.func @transform_4(%arg0: i32, %arg1: memref<24xi32, #tpu.memory_space<smem>>) -> (i32, i32, i32) {
    %get3A = arith.index_cast %arg0 : i32 to index
    %get3A_0 = memref.load %arg1[%get3A] : memref<24xi32, #tpu.memory_space<smem>>
    %c0_i32 = arith.constant 0 : i32
    %c0_i32_1 = arith.constant 0 : i32
    %c0_i32_2 = arith.constant 0 : i32
    return %get3A_0, %c0_i32, %c0_i32_1 : i32, i32, i32
  }
  func.func @transform_5(%arg0: i32, %arg1: memref<24xi32, #tpu.memory_space<smem>>) -> (i32, i32) {
    %c0_i32 = arith.constant 0 : i32
    %c0_i32_0 = arith.constant 0 : i32
    return %arg0, %c0_i32 : i32, i32
  }
}

module attributes {stable_mosaic.version = 14 : i64} {
  func.func @_shared_body(%arg0: i32, %arg1: i32, %arg2: memref<512x768xf32, #tpu.memory_space<vmem>>, %arg3: memref<512x768xf32, #tpu.memory_space<vmem>>, %arg4: memref<1x768x3072xf32, #tpu.memory_space<vmem>>, %arg5: memref<1x1x3072xf32, #tpu.memory_space<vmem>>, %arg6: memref<1x3072x768xf32, #tpu.memory_space<vmem>>, %arg7: memref<2x768xf32, #tpu.memory_space<vmem>>, %arg8: memref<1xf32, #tpu.memory_space<smem>>, %arg9: memref<512x768xf32, #tpu.memory_space<vmem>>, %arg10: memref<2048x768xf32, #tpu.memory_space<vmem>>) attributes {dimension_semantics = [#tpu.dimension_semantics<arbitrary>, #tpu.dimension_semantics<arbitrary>], iteration_bounds = array<i64: 2, 4>, scalar_prefetch = 0 : i64, scratch_operands = 1 : i64, tpu.core_type = #tpu.core_type<tc>, window_params = [{transform_indices = @transform_0, window_bounds = array<i64: 512, 768>}, {transform_indices = @transform_1, window_bounds = array<i64: 512, 768>}, {transform_indices = @transform_2, window_bounds = array<i64: 1, 768, 3072>}, {transform_indices = @transform_3, window_bounds = array<i64: 1, 1, 3072>}, {transform_indices = @transform_4, window_bounds = array<i64: 1, 3072, 768>}, {pipeline_mode = #tpu.pipeline_mode<synchronous>, transform_indices = @transform_5, window_bounds = array<i64: 2, 768>}, {transform_indices = @transform_6, window_bounds = array<i64: 1>}, {transform_indices = @transform_7, window_bounds = array<i64: 512, 768>}]} {
    %mul3A = arith.constant 512 : i32
    %mul3A_0 = arith.muli %arg1, %mul3A : i32
    %get3A = arith.constant 0 : index
    %get3A_1 = arith.constant 0 : index
    %get3A_2 = vector.load %arg2[%get3A, %get3A_1] : memref<512x768xf32, #tpu.memory_space<vmem>>, vector<512x768xf32>
    %get3A_3 = arith.constant 0 : index
    %get3A_4 = arith.constant 0 : index
    %get3A_5 = arith.constant 0 : index
    %get3A_6 = vector.load %arg4[%get3A_3, %get3A_4, %get3A_5] : memref<1x768x3072xf32, #tpu.memory_space<vmem>>, vector<1x768x3072xf32>
    %get3A_7 = vector.shape_cast %get3A_6 : vector<1x768x3072xf32> to vector<768x3072xf32>
    %dot_general3A = arith.constant dense<0.000000e+00> : vector<512x3072xf32>
    %dot_general3A_8 = tpu.matmul %get3A_2, %get3A_7, %dot_general3A {dimension_numbers = #tpu.dot_dimension_numbers<[1], [0], [0], [1], [0, 0, 1, 1], [], []>, transpose_lhs_hint = false} : vector<512x768xf32>, vector<768x3072xf32>, vector<512x3072xf32> -> vector<512x3072xf32>
    %get3A_9 = arith.constant 0 : index
    %get3A_10 = arith.constant 0 : index
    %get3A_11 = arith.constant 0 : index
    %get3A_12 = vector.load %arg5[%get3A_9, %get3A_10, %get3A_11] : memref<1x1x3072xf32, #tpu.memory_space<vmem>>, vector<1x1x3072xf32>
    %get3A_13 = vector.shape_cast %get3A_12 : vector<1x1x3072xf32> to vector<1x3072xf32>
    %add3A = vector.broadcast %get3A_13 : vector<1x3072xf32> to vector<512x3072xf32>
    %add3A_14 = arith.addf %dot_general3A_8, %add3A : vector<512x3072xf32>
    %integer_pow3A = arith.mulf %add3A_14, %add3A_14 : vector<512x3072xf32>
    %integer_pow3A_15 = arith.mulf %add3A_14, %integer_pow3A : vector<512x3072xf32>
    %mul3A_16 = arith.constant 4.471500e-02 : f32
    %mul3A_17 = vector.broadcast %mul3A_16 : f32 to vector<512x3072xf32>
    %mul3A_18 = arith.mulf %mul3A_17, %integer_pow3A_15 : vector<512x3072xf32>
    %add3A_19 = arith.addf %add3A_14, %mul3A_18 : vector<512x3072xf32>
    %mul3A_20 = arith.constant 0.797884583 : f32
    %mul3A_21 = vector.broadcast %mul3A_20 : f32 to vector<512x3072xf32>
    %mul3A_22 = arith.mulf %mul3A_21, %add3A_19 : vector<512x3072xf32>
    %tanh3A = math.tanh %mul3A_22 : vector<512x3072xf32>
    %add3A_23 = arith.constant 1.000000e+00 : f32
    %add3A_24 = vector.broadcast %add3A_23 : f32 to vector<512x3072xf32>
    %add3A_25 = arith.addf %add3A_24, %tanh3A : vector<512x3072xf32>
    %mul3A_26 = arith.constant 5.000000e-01 : f32
    %mul3A_27 = vector.broadcast %mul3A_26 : f32 to vector<512x3072xf32>
    %mul3A_28 = arith.mulf %mul3A_27, %add3A_25 : vector<512x3072xf32>
    %mul3A_29 = arith.mulf %add3A_14, %mul3A_28 : vector<512x3072xf32>
    %get3A_30 = arith.constant 0 : index
    %get3A_31 = arith.constant 0 : index
    %get3A_32 = arith.constant 0 : index
    %get3A_33 = vector.load %arg6[%get3A_30, %get3A_31, %get3A_32] : memref<1x3072x768xf32, #tpu.memory_space<vmem>>, vector<1x3072x768xf32>
    %get3A_34 = vector.shape_cast %get3A_33 : vector<1x3072x768xf32> to vector<3072x768xf32>
    %dot_general3A_35 = arith.constant dense<0.000000e+00> : vector<512x768xf32>
    %dot_general3A_36 = tpu.matmul %mul3A_29, %get3A_34, %dot_general3A_35 {dimension_numbers = #tpu.dot_dimension_numbers<[1], [0], [0], [1], [0, 0, 1, 1], [], []>, transpose_lhs_hint = false} : vector<512x3072xf32>, vector<3072x768xf32>, vector<512x768xf32> -> vector<512x768xf32>
    %eq3A = arith.constant 0 : i32
    %eq3A_37 = arith.cmpi eq, %arg0, %eq3A : i32
    %convert_element_type3A = arith.extui %eq3A_37 : i1 to i32
    %cond3A = arith.constant 0 : i32
    %cond3A_38 = arith.cmpi ne, %convert_element_type3A, %cond3A : i32
    scf.if %cond3A_38 {
      %swap3A = arith.index_cast %mul3A_0 : i32 to index
      %swap3A_44 = arith.constant 0 : index
      %swap3A_45 = vector.load %arg10[%swap3A, %swap3A_44] : memref<2048x768xf32, #tpu.memory_space<vmem>>, vector<512x768xf32>
      tpu.vector_store %arg10[%swap3A, %swap3A_44], %dot_general3A_36 {strides = array<i32>} : memref<2048x768xf32, #tpu.memory_space<vmem>>, vector<512x768xf32>,
    } else {
    }
    %eq3A_39 = arith.constant 1 : i32
    %eq3A_40 = arith.cmpi eq, %arg0, %eq3A_39 : i32
    %convert_element_type3A_41 = arith.extui %eq3A_40 : i1 to i32
    %cond3A_42 = arith.constant 0 : i32
    %cond3A_43 = arith.cmpi ne, %convert_element_type3A_41, %cond3A_42 : i32
    scf.if %cond3A_43 {
      %get3A_44 = arith.constant 0 : index
      %get3A_45 = arith.constant 0 : index
      %get3A_46 = vector.load %arg7[%get3A_44, %get3A_45] : memref<2x768xf32, #tpu.memory_space<vmem>>, vector<2x768xf32>
      %reduce_sum3A = arith.constant dense<0.000000e+00> : vector<768xf32>
      %reduce_sum3A_47 = vector.multi_reduction <add>, %get3A_46, %reduce_sum3A [0] : vector<2x768xf32> to vector<768xf32>
      %mul3A_48 = arith.constant 5.000000e-01 : f32
      %mul3A_49 = vector.broadcast %mul3A_48 : f32 to vector<768xf32>
      %mul3A_50 = arith.mulf %reduce_sum3A_47, %mul3A_49 : vector<768xf32>
      %get3A_51 = arith.index_cast %mul3A_0 : i32 to index
      %get3A_52 = arith.constant 0 : index
      %get3A_53 = vector.load %arg10[%get3A_51, %get3A_52] : memref<2048x768xf32, #tpu.memory_space<vmem>>, vector<512x768xf32>
      %add3A_54 = arith.addf %get3A_53, %dot_general3A_36 : vector<512x768xf32>
      %mul3A_55 = arith.constant 5.000000e-01 : f32
      %mul3A_56 = vector.broadcast %mul3A_55 : f32 to vector<512x768xf32>
      %mul3A_57 = arith.mulf %add3A_54, %mul3A_56 : vector<512x768xf32>
      %broadcast_in_dim3A = vector.shape_cast %mul3A_50 : vector<768xf32> to vector<1x768xf32>
      %add3A_58 = vector.broadcast %broadcast_in_dim3A : vector<1x768xf32> to vector<512x768xf32>
      %add3A_59 = arith.addf %mul3A_57, %add3A_58 : vector<512x768xf32>
      %get3A_60 = arith.constant 0 : index
      %get3A_61 = memref.load %arg8[%get3A_60] : memref<1xf32, #tpu.memory_space<smem>>
      %get3A_62 = arith.constant 0 : index
      %get3A_63 = arith.constant 0 : index
      %get3A_64 = vector.load %arg3[%get3A_62, %get3A_63] : memref<512x768xf32, #tpu.memory_space<vmem>>, vector<512x768xf32>
      %add3A_65 = arith.addf %get3A_64, %add3A_59 : vector<512x768xf32>
      %mul3A_66 = vector.broadcast %get3A_61 : f32 to vector<512x768xf32>
      %mul3A_67 = arith.mulf %mul3A_66, %add3A_65 : vector<512x768xf32>
      %add3A_68 = arith.addf %get3A_2, %mul3A_67 : vector<512x768xf32>
      %swap3A = arith.constant 0 : index
      %swap3A_69 = arith.constant 0 : index
      %swap3A_70 = vector.load %arg9[%swap3A, %swap3A_69] : memref<512x768xf32, #tpu.memory_space<vmem>>, vector<512x768xf32>
      tpu.vector_store %arg9[%swap3A, %swap3A_69], %add3A_68 {strides = array<i32>} : memref<512x768xf32, #tpu.memory_space<vmem>>, vector<512x768xf32>,
    } else {
    }
    return
  }
  func.func @transform_0(%arg0: i32, %arg1: i32) -> (i32, i32) {
    %c0_i32 = arith.constant 0 : i32
    %c0_i32_0 = arith.constant 0 : i32
    return %arg1, %c0_i32 : i32, i32
  }
  func.func @transform_1(%arg0: i32, %arg1: i32) -> (i32, i32) {
    %eq3A = arith.constant 1 : i32
    %eq3A_0 = arith.cmpi eq, %arg0, %eq3A : i32
    %jit3A = arith.constant 0 : i32
    %select_n3A = arith.select %eq3A_0, %arg1, %jit3A : i32
    %c0_i32 = arith.constant 0 : i32
    %c0_i32_1 = arith.constant 0 : i32
    return %select_n3A, %c0_i32 : i32, i32
  }
  func.func @transform_2(%arg0: i32, %arg1: i32) -> (i32, i32, i32) {
    %c0_i32 = arith.constant 0 : i32
    %c0_i32_0 = arith.constant 0 : i32
    %c0_i32_1 = arith.constant 0 : i32
    return %arg0, %c0_i32, %c0_i32_0 : i32, i32, i32
  }
  func.func @transform_3(%arg0: i32, %arg1: i32) -> (i32, i32, i32) {
    %c0_i32 = arith.constant 0 : i32
    %c0_i32_0 = arith.constant 0 : i32
    %c0_i32_1 = arith.constant 0 : i32
    return %arg0, %c0_i32, %c0_i32_0 : i32, i32, i32
  }
  func.func @transform_4(%arg0: i32, %arg1: i32) -> (i32, i32, i32) {
    %c0_i32 = arith.constant 0 : i32
    %c0_i32_0 = arith.constant 0 : i32
    %c0_i32_1 = arith.constant 0 : i32
    return %arg0, %c0_i32, %c0_i32_0 : i32, i32, i32
  }
  func.func @transform_5(%arg0: i32, %arg1: i32) -> (i32, i32) {
    %c0_i32 = arith.constant 0 : i32
    %c0_i32_0 = arith.constant 0 : i32
    %c0_i32_1 = arith.constant 0 : i32
    return %c0_i32, %c0_i32_0 : i32, i32
  }
  func.func @transform_6(%arg0: i32, %arg1: i32) -> i32 {
    %c0_i32 = arith.constant 0 : i32
    %c0_i32_0 = arith.constant 0 : i32
    return %c0_i32 : i32
  }
  func.func @transform_7(%arg0: i32, %arg1: i32) -> (i32, i32) {
    %eq3A = arith.constant 1 : i32
    %eq3A_0 = arith.cmpi eq, %arg0, %eq3A : i32
    %jit3A = arith.constant 0 : i32
    %select_n3A = arith.select %eq3A_0, %arg1, %jit3A : i32
    %c0_i32 = arith.constant 0 : i32
    %c0_i32_1 = arith.constant 0 : i32
    return %select_n3A, %c0_i32 : i32, i32
  }
}

</mosaic_0001>

<sc_bundles>
// kernel: kernel.10.cloned.1.call-start
scs
__scs_entry_jumppad:
0x0: {  	(pc) =	sbr.rel $0x88, $3  }
0x1: {  	(tag) =	ssettag $0x0;
	lr =	simm.s32 $0x1  }
0x2: {  	[smem:$0x3F96] =	sst lr;
	_ =	strace $0xD0000000  }
0x3: {  	_ = 	snop  }
0x4: {  	_ = 	snop  }
0x5: {  	_ = 	snop  }
0x6: {  	_ = 	snop  }
0x7: {  	_ = 	snop  }
__scs_overlays_trampoline_lowered:
0x8: {  	[smem:$0x3FA5] =	sst s0  }
0x9: {  	[smem:$0x3FA6] =	sst s1  }
0xa: {  	[smem:$0x3FA7] =	sst s2  }
0xb: {  	[smem:$0x3FA8] =	sst s3  }
0xc: {  	[smem:$0x3FA9] =	sst s4  }
0xd: {  	[smem:$0x3FAA] =	sst s5  }
0xe: {  	[smem:$0x3FAB] =	sst s6  }
0xf: {  	[smem:$0x3FAC] =	sst s7  }
0x10: {  	[smem:$0x3FAD] =	sst s8  }
0x11: {  	[smem:$0x3FAE] =	sst s9;
	s0 =	simm.s32 @!p0 $0x0  }
0x12: {  	s1 =	sld [smem:$0x3F94];
	s0 =	simm.s32 @p0 $0x1  }
0x13: {  	[smem:$0x3FAF] =	sst s0;
	s0 =	simm.s32 @!p1 $0x0  }
0x14: {  	s2 =	sld [smem:$0x3F93];
	s0 =	simm.s32 @p1 $0x1  }
0x15: {  	[smem:$0x3FB0] =	sst s0;
	s0 =	simm.s32 @!p2 $0x0  }
0x16: {  	s3 =	sld [smem:$0x3FDB];
	s0 =	simm.s32 @p2 $0x1  }
0x17: {  	s4 =	simm.s32 $0x1BF5;
	[smem:$0x3FB2] =	sst s0  }
0x18: {  	s0 =	sld [smem:$0x3F95];
	_ =	swait.ge [sflag:s4], $0x0  }
0x19: {  	s7 =	sld [smem:$0x3F96]  }
0x1a: {  	s8 =	sadd.s32 $0xFFFFE003, lr  }
0x1b: {  	s9 =	sadd.s32 $0xFFFFFEF7, lr;
	s5 =	simm.s32 $0xFFFFFFFF;
	p2 =	slt.u32 s8, $0xFFFFF086  }
0x1c: {  	p1 =	slt.u32 s9, $0xF7A;
	s5 =	simm.s32 @!p2 $0x0  }
0x1d: {  	s5 =	simm.s32 @p1 $0x1;
	p0 =	seq.s32 s7, s2  }
0x1e: {  	s7 =	smul.u32 @!p0 $0xF7A, s2;
	p2 =	seq.s32 @!p0 s5, $0x0  }
0x1f: {  	s9 =	smul.u32 $0xF7A, s1;
	s8 =	simm.s32 @!p0 $0x1BF5;
	p2 =	por !p2, p0  }
0x20: {  	[sflag:s8] =	ssyncset.s32 @!p0 $0xFFFFF086;
	s6 =	sadd.s32 @!p0 s3, s7;
	s7 =	simm.s32 @!p0 $0x108  }
0x21: {  	s3 =	sadd.s32 s3, s9;
	s6 =	sadd.s32 @!p0 $0x88, s6;
	s7 =	simm.s32 @p2 $0x1082  }
0x22: {  	[simem:s7], [sflag:s8] =	dma.local @!p0 [hbm:s6], $0xF7A  }
0x23: {  	s9 =	sor.u32 $0xD0000000, s2;
	s6 =	simm.s32 $0x108;
	_ =	swait.ge @!p0 [sflag:s8], $0x0  }
0x24: {  	s3 =	sadd.s32 $0x88, s3;
	s6 =	simm.s32 @!p1 $0x1082;
	[sflag:s4] =	ssyncset.s32 $0xFFFFF086  }
0x25: {  	[simem:s6], [sflag:s4] =	dma.local [hbm:s3], $0xF7A  }
0x26: {  	[smem:$0x3F96] =	sst s1;
	(tag) =	ssettag s2;
	_ =	strace s9  }
0x27: {  	s1 =	sld [smem:$0x3FA6]  }
0x28: {  	s2 =	sld [smem:$0x3FA7]  }
0x29: {  	s4 =	sld [smem:$0x3FA9]  }
0x2a: {  	p0 =	seq.s32 s5, $0x0;
	s5 =	sld [smem:$0x3FAA]  }
0x2b: {  	s6 =	sld [smem:$0x3FAB]  }
0x2c: {  	s7 =	sld [smem:$0x3FAC]  }
0x2d: {  	s3 =	simm.s32 $0x108;
	s8 =	sld [smem:$0x3FAD]  }
0x2e: {  	s3 =	simm.s32 @!p0 $0x1082;
	s9 =	sld [smem:$0x3FAE]  }
0x2f: {  	lr =	sadd.s32 s0, s3;
	s0 =	sld [smem:$0x3FA5]  }
0x30: {  	s3 =	sld [smem:$0x3FA8]  }
0x31: {  	[smem:$0x3FB1] =	sst s10  }
0x32: {  	s10 =	sld [smem:$0x3FAF];
	_ =	sdelay $0x3  }
0x33: {  	p0 =	seq.s32 s10, $0x1;
	s10 =	sld [smem:$0x3FB1];
	_ =	sdelay $0x3  }
0x34: {  	[smem:$0x3FB1] =	sst s10  }
0x35: {  	s10 =	sld [smem:$0x3FB0];
	_ =	sdelay $0x3  }
0x36: {  	p1 =	seq.s32 s10, $0x1;
	s10 =	sld [smem:$0x3FB1];
	_ =	sdelay $0x3  }
0x37: {  	[smem:$0x3FB1] =	sst s10  }
0x38: {  	s10 =	sld [smem:$0x3FB2]  }
0x39: {  	_ = 	snop;
	(pc) =	sbr.ind lr, $3  }
0x3a: {  	_ = 	snop  }
0x3b: {  	_ = 	snop  }
0x3c: {  	p2 =	seq.s32 s10, $0x1;
	s10 =	sld [smem:$0x3FB1]  }
0x3d: {  	_ =	shalt  }
0x3e: {  	_ =	shalt  }
0x3f: {  	_ =	shalt  }
0x40: {  	_ =	shalt  }
0x41: {  	_ =	shalt  }
0x42: {  	_ =	shalt  }
0x43: {  	_ =	shalt  }
0x44: {  	_ =	shalt  }
0x45: {  	_ =	shalt  }
0x46: {  	_ =	shalt  }
0x47: {  	_ =	shalt  }
0x48: {  	_ =	shalt  }
0x49: {  	_ =	shalt  }
0x4a: {  	_ =	shalt  }
0x4b: {  	_ =	shalt  }
0x4c: {  	_ =	shalt  }
0x4d: {  	_ =	shalt  }
0x4e: {  	_ =	shalt  }
0x4f: {  	_ =	shalt  }
0x50: {  	_ =	shalt  }
0x51: {  	_ =	shalt  }
0x52: {  	_ =	shalt  }
0x53: {  	_ =	shalt  }
0x54: {  	_ =	shalt  }
0x55: {  	_ =	shalt  }
0x56: {  	_ =	shalt  }
0x57: {  	_ =	shalt  }
0x58: {  	_ =	shalt  }
0x59: {  	_ =	shalt  }
0x5a: {  	_ =	shalt  }
0x5b: {  	_ =	shalt  }
0x5c: {  	_ =	shalt  }
0x5d: {  	_ =	shalt  }
0x5e: {  	_ =	shalt  }
0x5f: {  	_ =	shalt  }
0x60: {  	_ =	shalt  }
0x61: {  	_ =	shalt  }
0x62: {  	_ =	shalt  }
0x63: {  	_ =	shalt  }
0x64: {  	_ =	shalt  }
0x65: {  	_ =	shalt  }
0x66: {  	_ =	shalt  }
0x67: {  	_ =	shalt  }
0x68: {  	_ =	shalt  }
0x69: {  	_ =	shalt  }
0x6a: {  	_ =	shalt  }
0x6b: {  	_ =	shalt  }
0x6c: {  	_ =	shalt  }
0x6d: {  	_ =	shalt  }
0x6e: {  	_ =	shalt  }
0x6f: {  	_ =	shalt  }
0x70: {  	_ =	shalt  }
0x71: {  	_ =	shalt  }
0x72: {  	_ =	shalt  }
0x73: {  	_ =	shalt  }
0x74: {  	_ =	shalt  }
0x75: {  	_ =	shalt  }
0x76: {  	_ =	shalt  }
0x77: {  	_ =	shalt  }
0x78: {  	_ =	shalt  }
0x79: {  	_ =	shalt  }
0x7a: {  	_ =	shalt  }
0x7b: {  	_ =	shalt  }
0x7c: {  	_ =	shalt  }
0x7d: {  	_ =	shalt  }
0x7e: {  	_ =	shalt  }
0x7f: {  	_ =	shalt  }
0x80: {  	_ =	shalt  }
0x81: {  	_ =	shalt  }
0x82: {  	_ =	shalt  }
0x83: {  	_ =	shalt  }
0x84: {  	_ =	shalt  }
0x85: {  	_ =	shalt  }
0x86: {  	_ =	shalt  }
0x87: {  	_ =	shalt  }
.Lfunc_end0:
.L_simem_size_0:
called_computation.1_lowered:
.L_overlay_start_0:
0x88: {  	s2 =	sld [smem:$0x3FD9]  }
0x89: {  	s3 =	sld [smem:$0x3FFE];
	_ =	sdelay $0x1  }
0x8a: {  	s1 =	srdreg.scid  }
0x8b: {  	s0 =	sand.u32 $0x1, s1  }
0x8c: {  	s16 =	sshll.u32 s0, $0xA;
	s2 =	sadd.s32 s3, s2  }
0x8d: {  	s2 =	sadd.s32 s2, s16  }
0x8e: {  	[smem:$0x3FBD] =	sst s2  }
0x8f: {  	_ = 	snop  }
0x90: {  	(tm) =	ssettm $0x1  }
0x91: {  	s17 =	sld [smem:$0x3FFB];
	_ =	sdelay $0x3  }
0x92: {  	_ =	strace s17  }
0x93: {  	s2 =	sld [smem:$0x3FFC];
	_ =	sdelay $0x3  }
0x94: {  	_ =	strace s2  }
0x95: {  	s2 =	sld [smem:$0x3FFD];
	_ =	sdelay $0x3  }
0x96: {  	_ =	strace s2  }
0x97: {  	_ =	strace $0x8FFFFFFF  }
0x98: {  	s18 =	sld [smem:$0x3FDB];
	_ =	sdelay $0x1  }
0x99: {  	s19 =	simm.s32 $_scs_section_size  }
0x9a: {  	s4 =	simm.s32 $_size__tile_overlayer_lowered;
	s5 =	simm.s32 $_tile_overlayer_lowered  }
0x9b: {  	s22 =	simm.s32 $0x1BFF;
	s21 =	sshll.u32 s5, $0x1;
	s2 =	sadd.s32 s19, s18  }
0x9c: {  	s6 =	simm.s32 $0x0;
	s20 =	sshll.u32 s4, $0x1;
	s4 =	sadd.s32 s21, s2  }
0x9d: {  	[timem:s6], [sflag:s22] =	dma.local [hbm:s4], s20  }
0x9e: {  	_ =	swait.ge [sflag:s22], s20  }
0x9f: {  	s3 =	ssub.s32 $0x0, s20;
	[sflag:s22] =	ssyncset.done $0x0  }
0xa0: {  	[sflag:s22] =	ssyncadd.s32 s3;
	_ =	sdelay $0x1  }
0xa1: {  	s23 =	simm.s32 $0x1B8B  }
0xa2: {  	_ =	swait.ge [sflag:s23], $0x1  }
0xa3: {  	[sflag:s23] =	ssyncset.done $0x0  }
0xa4: {  	s25 =	simm.s32 $0x1B8E;
	s24 =	sld [smem:$0x3FFE];
	[sflag:s23] =	ssyncadd.s32 $0xFFFFFFFF  }
0xa5: {  	s26 =	simm.s32 $execute0_lowered;
	[smem:$0x3FD2] =	sst s25  }
0xa6: {  	s4 =	sshll.u32 s26, $0x1;
	_ =	strace $0x80000049;
	[dreg:$0x1] =	wrdreg $0xFFFFFFFF  }
0xa7: {  	s28 =	simm.s32 $_size_execute0_lowered;
	s2 =	sadd.s32 s2, s4;
	[dreg:$0x0] =	wrdreg $0x0  }
0xa8: {  	s4 =	sshll.u32 s28, $0x1;
	[dreg:$0x2] =	wrdreg s2  }
0xa9: {  	[dreg:$0x3] =	wrdreg s4  }
0xaa: {  	[dreg:$0x4] =	wrdreg $0xC0  }
0xab: {  	_ =	task [dreg:s6], $0x5FFFF  }
0xac: {  	[dreg:$0x1] =	wrdreg $0xFFFFFFFF  }
0xad: {  	[dreg:$0x0] =	wrdreg $0x60  }
0xae: {  	[dreg:$0x2] =	wrdreg s24  }
0xaf: {  	[dreg:$0x3] =	wrdreg $0x9  }
0xb0: {  	_ =	task.clear_ibuf [dreg:s6], $0x4FFFF;
	_ =	strace $0x90000049  }
0xb1: {  	s29 =	simm.s32 $0x9;
	_ =	strace $0x8000004B  }
0xb2: {  	_ =	swait.ge [sflag:s29], $0x1  }
0xb3: {  	[sflag:s29] =	ssyncadd.s32 $0xFFFFFFFF  }
0xb4: {  	_ =	strace $0x9000004B  }
0xb5: {  	_ =	sfence  }
0xb6: {  	s30 =	sld [smem:$0x0];
	_ =	sdelay $0x2  }
0xb7: {  	s31 =	sshll.u32 s1, $0xD;
	s1 =	sshrl.u32 s1, $0x2  }
0xb8: {  	s3 =	sand.u32 $0x4000, s31;
	s1 =	sadd.s32 s1, s30  }
0xb9: {  	s0 =	sor.u32 s3, s0;
	s1 =	sshll.u32 s1, $0x11  }
0xba: {  	s0 =	sor.u32 s1, s0  }
0xbb: {  	s0 =	sadd.s32 $0x8F2B, s0  }
0xbc: {  	[sflag:s0] =	ssyncadd.remote.s32 $0x1  }
0xbd: {  	_ =	sfence.sel $0xFFFF  }
0xbe: {  	[dreg:$0x0] =	wrdreg $0xFFFFFFFF;
	(pc) =	sbr.abs _section_cstart, $3  }
0xbf: {  	[dreg:$0x1] =	wrdreg $0xFFFFFFFF  }
0xc0: {  	_ =	task.clear_ibuf [dreg:s6], $0x2FFFF;
	_ =	strace $0x9FFFFFFF  }
0xc1: {  	(tm) =	ssettm $0x7FFFFFFF  }
tec
execute0_lowered:
.L_overlay_start_1:
0x0: {  	(tag) =	ssettag $0x1  }
0x1: {  	s0 =	rddreg [dreg:$0x0];
	s2 =	simm.s32 $0x0;
	s3 =	srdreg.scid  }
0x2: {  	s1 =	stileid.u32;
	s26 =	simm.s32 $0xC00;
	s9 =	simm.s32 $0x1400  }
0x3: {  	s10 =	simm.s32 $0x1C00;
	s11 =	simm.s32 $0x2400;
	s12 =	simm.s32 $0x2C00  }
0x4: {  	s13 =	simm.s32 $0x3400;
	s14 =	simm.s32 $0x3C00;
	s15 =	simm.s32 $0x4400  }
0x5: {  	s16 =	simm.s32 $0x4C00;
	s17 =	simm.s32 $0x5400;
	s18 =	simm.s32 $0x5C00  }
0x6: {  	s19 =	simm.s32 $0x6400;
	s20 =	simm.s32 $0x6C00;
	s21 =	simm.s32 $0x7400  }
0x7: {  	s22 =	simm.s32 $0x7C00;
	s23 =	simm.s32 $0x8400;
	s28 =	simm.s32 $0xA400  }
0x8: {  	s29 =	simm.s32 $0xAC00;
	s30 =	simm.s32 $0xB400;
	s31 =	simm.s32 $0xBC00  }
0x9: {  	[smem:$0x7FF] =	sst s2;
	s3 =	sand.u32 $0x1, s3;
	s4 =	sshll.u32 s1, $0x1  }
0xa: {  	_ =	strace $0x8000004A;
	s4 =	sor.u32 s3, s4;
	s6 =	ssub.s32 $0x2, s3  }
0xb: {  	s3 =	sadd.s32 $0x4A600, s0;
	[dreg:$0x4] =	wrdreg s26;
	s26 =	simm.s32 $0x9C00  }
0xc: {  	s5 =	sshll.u32 s4, $0x7;
	s4 =	smul.u32 $0x1800, s4;
	s7 =	sshrl.u32 s6, $0x1  }
0xd: {  	s5 =	sadd.s32 s5, s0;
	s6 =	ssub.s32 s6, s7;
	s7 =	simm.s32 $0x2  }
0xe: {  	s8 =	sadd.s32 s4, s0;
	s24 =	sadd.s32 $0x1200, s5;
	s4 =	sadd.s32 $0x4A700, s0  }
0xf: {  	v0 =	vlaneseq.u32;
	s5 =	sadd.s32 $0x4A800, s0;
	s6 =	smax.u32 s6, $0x1;
	s0 =	simm.s32 $0x1  }
0x10: {  	v1 =	vshrl.u32 v0, $0x3;
	[dreg:$0x2] =	wrdreg s24;
	s25 =	sadd.s32 $0x2200, s8;
	s8 =	simm.s32 $0x400  }
0x11: {  	vm0 =	vmmov $0xffff;
	v0 =	vand.u32 $0x7, v0;
	v1 =	vmul.u32 $0x8, v1;
	s24 =	simm.s32 $0x8C00;
	[dreg:$0x3] =	wrdreg s25;
	s25 =	simm.s32 $0x9400  }
.LBB2_1:
0x12: {  	s1 =	rddreg [dreg:$0x2]  }
0x13: {  	[tilespmem:s2], [sflag:$0x2] =	stream.linear.gather [hbm4b:s1+s2], $0x400, $0x38;
	[tilespmem:$0xC400] =	vst v63  }
0x14: {  	_ =	swait.ge [sflag:s7], $0x400  }
0x15: {  	[sflag:s7] =	ssyncset.done $0x0  }
0x16: {  	[sflag:s7] =	ssyncadd.s32 $0xFFFFFC00  }
0x17: {  	v2 =	vld.msk [tilespmem:$0x0], $0xff;
	_ =	sdelay $0x4  }
0x18: {  	v3 =	vshrl.u32 v2, $0x3  }
0x19: {  	v3 =	vmul.u32 $0x30, v3  }
0x1a: {  	v2 =	vand.u32 $0x7, v2  }
0x1b: {  	v2 =	vor.u32 v2, v3  }
0x1c: {  	v2 =	vperm.xlane v2, v0;
	_ =	sdelay $0x1  }
0x1d: {  	v2 =	vadd.s32 v1, v2;
	_ =	sdelay $0x4  }
0x1e: {  	[tilespmem:s8], [sflag:$0x1] =	stream.indirect_vreg.gather [hbm4b:s3+s2], $0x80, v2, vm0, $0xb8;
	[tilespmem:$0xC400] =	vst v63  }
0x1f: {  	s1 =	rddreg [dreg:$0x4]  }
0x20: {  	[tilespmem:s1], [sflag:$0x1] =	stream.indirect_vreg.gather [hbm4b:s4+s2], $0x80, v2, vm0, $0xb8;
	[tilespmem:$0xC400] =	vst v63  }
0x21: {  	_ = 	snop  }
0x22: {  	[tilespmem:s9], [sflag:$0x1] =	stream.indirect_vreg.gather [hbm4b:s5+s2], $0x80, v2, vm0, $0xb8;
	[tilespmem:$0xC400] =	vst v63  }
0x23: {  	v2 =	vld.msk [tilespmem:$0x80], $0xff;
	_ =	sdelay $0x4  }
0x24: {  	v3 =	vshrl.u32 v2, $0x3  }
0x25: {  	v3 =	vmul.u32 $0x30, v3  }
0x26: {  	v2 =	vand.u32 $0x7, v2  }
0x27: {  	v2 =	vor.u32 v2, v3  }
0x28: {  	v2 =	vperm.xlane v2, v0;
	_ =	sdelay $0x1  }
0x29: {  	v2 =	vadd.s32 v1, v2;
	_ =	sdelay $0x4  }
0x2a: {  	[tilespmem:s10], [sflag:$0x1] =	stream.indirect_vreg.gather [hbm4b:s3+s2], $0x80, v2, vm0, $0xb8;
	[tilespmem:$0xC400] =	vst v63  }
0x2b: {  	_ = 	snop  }
0x2c: {  	[tilespmem:s11], [sflag:$0x1] =	stream.indirect_vreg.gather [hbm4b:s4+s2], $0x80, v2, vm0, $0xb8;
	[tilespmem:$0xC400] =	vst v63  }
0x2d: {  	_ = 	snop  }
0x2e: {  	[tilespmem:s12], [sflag:$0x1] =	stream.indirect_vreg.gather [hbm4b:s5+s2], $0x80, v2, vm0, $0xb8;
	[tilespmem:$0xC400] =	vst v63  }
0x2f: {  	v2 =	vld.msk [tilespmem:$0x100], $0xff;
	_ =	sdelay $0x4  }
0x30: {  	v3 =	vshrl.u32 v2, $0x3  }
0x31: {  	v3 =	vmul.u32 $0x30, v3  }
0x32: {  	v2 =	vand.u32 $0x7, v2  }
0x33: {  	v2 =	vor.u32 v2, v3  }
0x34: {  	v2 =	vperm.xlane v2, v0;
	_ =	sdelay $0x1  }
0x35: {  	v2 =	vadd.s32 v1, v2;
	_ =	sdelay $0x4  }
0x36: {  	[tilespmem:s13], [sflag:$0x1] =	stream.indirect_vreg.gather [hbm4b:s3+s2], $0x80, v2, vm0, $0xb8;
	[tilespmem:$0xC400] =	vst v63  }
0x37: {  	_ = 	snop  }
0x38: {  	[tilespmem:s14], [sflag:$0x1] =	stream.indirect_vreg.gather [hbm4b:s4+s2], $0x80, v2, vm0, $0xb8;
	[tilespmem:$0xC400] =	vst v63  }
0x39: {  	_ = 	snop  }
0x3a: {  	[tilespmem:s15], [sflag:$0x1] =	stream.indirect_vreg.gather [hbm4b:s5+s2], $0x80, v2, vm0, $0xb8;
	[tilespmem:$0xC400] =	vst v63  }
0x3b: {  	v2 =	vld.msk [tilespmem:$0x180], $0xff;
	_ =	sdelay $0x4  }
0x3c: {  	v3 =	vshrl.u32 v2, $0x3  }
0x3d: {  	v3 =	vmul.u32 $0x30, v3  }
0x3e: {  	v2 =	vand.u32 $0x7, v2  }
0x3f: {  	v2 =	vor.u32 v2, v3  }
0x40: {  	v2 =	vperm.xlane v2, v0;
	_ =	sdelay $0x1  }
0x41: {  	v2 =	vadd.s32 v1, v2;
	_ =	sdelay $0x4  }
0x42: {  	[tilespmem:s16], [sflag:$0x1] =	stream.indirect_vreg.gather [hbm4b:s3+s2], $0x80, v2, vm0, $0xb8;
	[tilespmem:$0xC400] =	vst v63  }
0x43: {  	_ = 	snop  }
0x44: {  	[tilespmem:s17], [sflag:$0x1] =	stream.indirect_vreg.gather [hbm4b:s4+s2], $0x80, v2, vm0, $0xb8;
	[tilespmem:$0xC400] =	vst v63  }
0x45: {  	_ = 	snop  }
0x46: {  	[tilespmem:s18], [sflag:$0x1] =	stream.indirect_vreg.gather [hbm4b:s5+s2], $0x80, v2, vm0, $0xb8;
	[tilespmem:$0xC400] =	vst v63  }
0x47: {  	v2 =	vld.msk [tilespmem:$0x200], $0xff;
	_ =	sdelay $0x4  }
0x48: {  	v3 =	vshrl.u32 v2, $0x3  }
0x49: {  	v3 =	vmul.u32 $0x30, v3  }
0x4a: {  	v2 =	vand.u32 $0x7, v2  }
0x4b: {  	v2 =	vor.u32 v2, v3  }
0x4c: {  	v2 =	vperm.xlane v2, v0;
	_ =	sdelay $0x1  }
0x4d: {  	v2 =	vadd.s32 v1, v2;
	_ =	sdelay $0x4  }
0x4e: {  	[tilespmem:s19], [sflag:$0x1] =	stream.indirect_vreg.gather [hbm4b:s3+s2], $0x80, v2, vm0, $0xb8;
	[tilespmem:$0xC400] =	vst v63  }
0x4f: {  	_ = 	snop  }
0x50: {  	[tilespmem:s20], [sflag:$0x1] =	stream.indirect_vreg.gather [hbm4b:s4+s2], $0x80, v2, vm0, $0xb8;
	[tilespmem:$0xC400] =	vst v63  }
0x51: {  	_ = 	snop  }
0x52: {  	[tilespmem:s21], [sflag:$0x1] =	stream.indirect_vreg.gather [hbm4b:s5+s2], $0x80, v2, vm0, $0xb8;
	[tilespmem:$0xC400] =	vst v63  }
0x53: {  	v2 =	vld.msk [tilespmem:$0x280], $0xff;
	_ =	sdelay $0x4  }
0x54: {  	v3 =	vshrl.u32 v2, $0x3  }
0x55: {  	v3 =	vmul.u32 $0x30, v3  }
0x56: {  	v2 =	vand.u32 $0x7, v2  }
0x57: {  	v2 =	vor.u32 v2, v3  }
0x58: {  	v2 =	vperm.xlane v2, v0;
	_ =	sdelay $0x1  }
0x59: {  	v2 =	vadd.s32 v1, v2;
	_ =	sdelay $0x4  }
0x5a: {  	[tilespmem:s22], [sflag:$0x1] =	stream.indirect_vreg.gather [hbm4b:s3+s2], $0x80, v2, vm0, $0xb8;
	[tilespmem:$0xC400] =	vst v63  }
0x5b: {  	_ = 	snop  }
0x5c: {  	[tilespmem:s23], [sflag:$0x1] =	stream.indirect_vreg.gather [hbm4b:s4+s2], $0x80, v2, vm0, $0xb8;
	[tilespmem:$0xC400] =	vst v63  }
0x5d: {  	_ = 	snop  }
0x5e: {  	[tilespmem:s24], [sflag:$0x1] =	stream.indirect_vreg.gather [hbm4b:s5+s2], $0x80, v2, vm0, $0xb8;
	[tilespmem:$0xC400] =	vst v63  }
0x5f: {  	v2 =	vld.msk [tilespmem:$0x300], $0xff;
	_ =	sdelay $0x4  }
0x60: {  	v3 =	vshrl.u32 v2, $0x3  }
0x61: {  	v3 =	vmul.u32 $0x30, v3  }
0x62: {  	v2 =	vand.u32 $0x7, v2  }
0x63: {  	v2 =	vor.u32 v2, v3  }
0x64: {  	v2 =	vperm.xlane v2, v0;
	_ =	sdelay $0x1  }
0x65: {  	v2 =	vadd.s32 v1, v2;
	_ =	sdelay $0x4  }
0x66: {  	[tilespmem:s25], [sflag:$0x1] =	stream.indirect_vreg.gather [hbm4b:s3+s2], $0x80, v2, vm0, $0xb8;
	[tilespmem:$0xC400] =	vst v63  }
0x67: {  	_ = 	snop  }
0x68: {  	[tilespmem:s26], [sflag:$0x1] =	stream.indirect_vreg.gather [hbm4b:s4+s2], $0x80, v2, vm0, $0xb8;
	[tilespmem:$0xC400] =	vst v63  }
0x69: {  	_ = 	snop  }
0x6a: {  	[tilespmem:s28], [sflag:$0x1] =	stream.indirect_vreg.gather [hbm4b:s5+s2], $0x80, v2, vm0, $0xb8;
	[tilespmem:$0xC400] =	vst v63  }
0x6b: {  	v2 =	vld.msk [tilespmem:$0x380], $0xff;
	_ =	sdelay $0x4  }
0x6c: {  	v3 =	vshrl.u32 v2, $0x3  }
0x6d: {  	v3 =	vmul.u32 $0x30, v3  }
0x6e: {  	v2 =	vand.u32 $0x7, v2  }
0x6f: {  	v2 =	vor.u32 v2, v3  }
0x70: {  	v2 =	vperm.xlane v2, v0;
	_ =	sdelay $0x1  }
0x71: {  	v2 =	vadd.s32 v1, v2;
	_ =	sdelay $0x4  }
0x72: {  	[tilespmem:s29], [sflag:$0x1] =	stream.indirect_vreg.gather [hbm4b:s3+s2], $0x80, v2, vm0, $0xb8;
	[tilespmem:$0xC400] =	vst v63  }
0x73: {  	_ = 	snop  }
0x74: {  	[tilespmem:s30], [sflag:$0x1] =	stream.indirect_vreg.gather [hbm4b:s4+s2], $0x80, v2, vm0, $0xb8;
	[tilespmem:$0xC400] =	vst v63  }
0x75: {  	_ = 	snop  }
0x76: {  	[tilespmem:s31], [sflag:$0x1] =	stream.indirect_vreg.gather [hbm4b:s5+s2], $0x80, v2, vm0, $0xb8;
	[tilespmem:$0xC400] =	vst v63  }
0x77: {  	_ =	swait.ge [sflag:s0], $0x1800  }
0x78: {  	[sflag:s0] =	ssyncset.done $0x0  }
0x79: {  	[sflag:s0] =	ssyncadd.s32 $0xFFFFE800  }
0x7a: {  	_ =	swait.ge [sflag:s0], $0x1800  }
0x7b: {  	[sflag:s0] =	ssyncset.done $0x0  }
0x7c: {  	[sflag:s0] =	ssyncadd.s32 $0xFFFFE800  }
0x7d: {  	_ =	swait.ge [sflag:s0], $0x1800  }
0x7e: {  	[sflag:s0] =	ssyncset.done $0x0  }
0x7f: {  	[sflag:s0] =	ssyncadd.s32 $0xFFFFE800  }
0x80: {  	_ =	swait.ge [sflag:s0], $0x1800  }
0x81: {  	[sflag:s0] =	ssyncset.done $0x0  }
0x82: {  	[sflag:s0] =	ssyncadd.s32 $0xFFFFE800  }
0x83: {  	_ =	swait.ge [sflag:s0], $0x1800  }
0x84: {  	[sflag:s0] =	ssyncset.done $0x0  }
0x85: {  	[sflag:s0] =	ssyncadd.s32 $0xFFFFE800  }
0x86: {  	_ =	swait.ge [sflag:s0], $0x1800  }
0x87: {  	[sflag:s0] =	ssyncset.done $0x0  }
0x88: {  	[sflag:s0] =	ssyncadd.s32 $0xFFFFE800  }
0x89: {  	_ =	swait.ge [sflag:s0], $0x1800  }
0x8a: {  	[sflag:s0] =	ssyncset.done $0x0  }
0x8b: {  	[sflag:s0] =	ssyncadd.s32 $0xFFFFE800  }
0x8c: {  	_ =	swait.ge [sflag:s0], $0x1800  }
0x8d: {  	p0 =	sne.s32 s6, $0x1;
	[sflag:s0] =	ssyncset.done $0x0  }
.Ltmp0:
0x8e: {  	s1 =	rddreg [dreg:$0x3];
	[sflag:s0] =	ssyncadd.s32 $0xFFFFE800;
	(pc) =	sbr.rel @p0 .LBB2_1-.Ltmp0, $4  }
0x8f: {  	[hbm4b:s1+s2] =	stream.linear.scatter [tilespmem:s8], [sflag:$0x2], $0xC000, $0x38;
	[tilespmem:$0xC400] =	vst v63  }
0x90: {  	_ =	swait.ge [sflag:s7], $0xC000  }
0x91: {  	[sflag:s7] =	ssyncset.done $0x0  }
0x92: {  	s6 =	sadd.s32 $0xFFFFFFFF, s6;
	[sflag:s7] =	ssyncadd.s32 $0xFFFF4000  }
0x93: {  	_ =	sfence.sel $0x180000  }
0x94: {  	[bflag:$0x0] =	sbarrier.arrive $0xFFFF  }
0x95: {  	_ =	strace $0x9000004A  }
0x96: {  	s0 =	stileid.u32;
	[bflag:$0x2] =	sbarrier.arrive $0xFFFF  }
0x97: {  	p0 =	sne.s32 s0, $0x0;
	s0 =	rddreg [dreg:$0x1]  }
0x98: {  	s0 =	sadd.s32 @!p0 $0x100000, s0  }
0x99: {  	[sflag:s0] =	ssyncadd.tile.s32 @!p0 $0x1;
	_ =	shalt  }
.Lfunc_end2:
_tile_overlayer_lowered:
.L_overlay_start_2:
0x9a: {  	(tag) =	ssettag $0x2  }
0x9b: {  	s0 =	rddreg [dreg:$0x0];
	s2 =	stileid.u32  }
0x9c: {  	s1 =	rddreg [dreg:$0x1];
	p0 =	sne.s32 s2, $0x0  }
0x9d: {  	s3 =	rddreg [dreg:$0x2];
	[bflag:$0x3] =	sbarrier.arrive $0xFFFF;
	s2 =	simm.s32 @!p0 $0x1C02  }
0x9e: {  	[timem:s3], [sflag:s2] =	dma.local @!p0 [hbm:s0], s1  }
0x9f: {  	s0 =	simm.s32 @!p0 $0x2  }
0xa0: {  	_ =	swait.ge @!p0 [sflag:s0], s1  }
0xa1: {  	s1 =	ssub.s32 @!p0 $0x0, s1;
	[sflag:s0] =	ssyncset.done @!p0 $0x0  }
0xa2: {  	[sflag:s0] =	ssyncadd.s32 @!p0 s1  }
0xa3: {  	[bflag:$0x3] =	sbarrier.arrive $0xFFFF  }
0xa4: {  	_ =	shalt  }

// kernel: kernel.7.cloned.1.call-start
scs
__scs_entry_jumppad:
0x0: {  	(pc) =	sbr.rel $0x88, $3  }
0x1: {  	(tag) =	ssettag $0x0;
	lr =	simm.s32 $0x1  }
0x2: {  	[smem:$0x3F96] =	sst lr;
	_ =	strace $0xD0000000  }
0x3: {  	_ = 	snop  }
0x4: {  	_ = 	snop  }
0x5: {  	_ = 	snop  }
0x6: {  	_ = 	snop  }
0x7: {  	_ = 	snop  }
__scs_overlays_trampoline_lowered:
0x8: {  	[smem:$0x3FA5] =	sst s0  }
0x9: {  	[smem:$0x3FA6] =	sst s1  }
0xa: {  	[smem:$0x3FA7] =	sst s2  }
0xb: {  	[smem:$0x3FA8] =	sst s3  }
0xc: {  	[smem:$0x3FA9] =	sst s4  }
0xd: {  	[smem:$0x3FAA] =	sst s5  }
0xe: {  	[smem:$0x3FAB] =	sst s6  }
0xf: {  	[smem:$0x3FAC] =	sst s7  }
0x10: {  	[smem:$0x3FAD] =	sst s8  }
0x11: {  	[smem:$0x3FAE] =	sst s9;
	s0 =	simm.s32 @!p0 $0x0  }
0x12: {  	s1 =	sld [smem:$0x3F94];
	s0 =	simm.s32 @p0 $0x1  }
0x13: {  	[smem:$0x3FAF] =	sst s0;
	s0 =	simm.s32 @!p1 $0x0  }
0x14: {  	s2 =	sld [smem:$0x3F93];
	s0 =	simm.s32 @p1 $0x1  }
0x15: {  	[smem:$0x3FB0] =	sst s0;
	s0 =	simm.s32 @!p2 $0x0  }
0x16: {  	s3 =	sld [smem:$0x3FDB];
	s0 =	simm.s32 @p2 $0x1  }
0x17: {  	s4 =	simm.s32 $0x1BF5;
	[smem:$0x3FB2] =	sst s0  }
0x18: {  	s0 =	sld [smem:$0x3F95];
	_ =	swait.ge [sflag:s4], $0x0  }
0x19: {  	s7 =	sld [smem:$0x3F96]  }
0x1a: {  	s8 =	sadd.s32 $0xFFFFE003, lr  }
0x1b: {  	s9 =	sadd.s32 $0xFFFFFEF7, lr;
	s5 =	simm.s32 $0xFFFFFFFF;
	p2 =	slt.u32 s8, $0xFFFFF086  }
0x1c: {  	p1 =	slt.u32 s9, $0xF7A;
	s5 =	simm.s32 @!p2 $0x0  }
0x1d: {  	s5 =	simm.s32 @p1 $0x1;
	p0 =	seq.s32 s7, s2  }
0x1e: {  	s7 =	smul.u32 @!p0 $0xF7A, s2;
	p2 =	seq.s32 @!p0 s5, $0x0  }
0x1f: {  	s9 =	smul.u32 $0xF7A, s1;
	s8 =	simm.s32 @!p0 $0x1BF5;
	p2 =	por !p2, p0  }
0x20: {  	[sflag:s8] =	ssyncset.s32 @!p0 $0xFFFFF086;
	s6 =	sadd.s32 @!p0 s3, s7;
	s7 =	simm.s32 @!p0 $0x108  }
0x21: {  	s3 =	sadd.s32 s3, s9;
	s6 =	sadd.s32 @!p0 $0x88, s6;
	s7 =	simm.s32 @p2 $0x1082  }
0x22: {  	[simem:s7], [sflag:s8] =	dma.local @!p0 [hbm:s6], $0xF7A  }
0x23: {  	s9 =	sor.u32 $0xD0000000, s2;
	s6 =	simm.s32 $0x108;
	_ =	swait.ge @!p0 [sflag:s8], $0x0  }
0x24: {  	s3 =	sadd.s32 $0x88, s3;
	s6 =	simm.s32 @!p1 $0x1082;
	[sflag:s4] =	ssyncset.s32 $0xFFFFF086  }
0x25: {  	[simem:s6], [sflag:s4] =	dma.local [hbm:s3], $0xF7A  }
0x26: {  	[smem:$0x3F96] =	sst s1;
	(tag) =	ssettag s2;
	_ =	strace s9  }
0x27: {  	s1 =	sld [smem:$0x3FA6]  }
0x28: {  	s2 =	sld [smem:$0x3FA7]  }
0x29: {  	s4 =	sld [smem:$0x3FA9]  }
0x2a: {  	p0 =	seq.s32 s5, $0x0;
	s5 =	sld [smem:$0x3FAA]  }
0x2b: {  	s6 =	sld [smem:$0x3FAB]  }
0x2c: {  	s7 =	sld [smem:$0x3FAC]  }
0x2d: {  	s3 =	simm.s32 $0x108;
	s8 =	sld [smem:$0x3FAD]  }
0x2e: {  	s3 =	simm.s32 @!p0 $0x1082;
	s9 =	sld [smem:$0x3FAE]  }
0x2f: {  	lr =	sadd.s32 s0, s3;
	s0 =	sld [smem:$0x3FA5]  }
0x30: {  	s3 =	sld [smem:$0x3FA8]  }
0x31: {  	[smem:$0x3FB1] =	sst s10  }
0x32: {  	s10 =	sld [smem:$0x3FAF];
	_ =	sdelay $0x3  }
0x33: {  	p0 =	seq.s32 s10, $0x1;
	s10 =	sld [smem:$0x3FB1];
	_ =	sdelay $0x3  }
0x34: {  	[smem:$0x3FB1] =	sst s10  }
0x35: {  	s10 =	sld [smem:$0x3FB0];
	_ =	sdelay $0x3  }
0x36: {  	p1 =	seq.s32 s10, $0x1;
	s10 =	sld [smem:$0x3FB1];
	_ =	sdelay $0x3  }
0x37: {  	[smem:$0x3FB1] =	sst s10  }
0x38: {  	s10 =	sld [smem:$0x3FB2]  }
0x39: {  	_ = 	snop;
	(pc) =	sbr.ind lr, $3  }
0x3a: {  	_ = 	snop  }
0x3b: {  	_ = 	snop  }
0x3c: {  	p2 =	seq.s32 s10, $0x1;
	s10 =	sld [smem:$0x3FB1]  }
0x3d: {  	_ =	shalt  }
0x3e: {  	_ =	shalt  }
0x3f: {  	_ =	shalt  }
0x40: {  	_ =	shalt  }
0x41: {  	_ =	shalt  }
0x42: {  	_ =	shalt  }
0x43: {  	_ =	shalt  }
0x44: {  	_ =	shalt  }
0x45: {  	_ =	shalt  }
0x46: {  	_ =	shalt  }
0x47: {  	_ =	shalt  }
0x48: {  	_ =	shalt  }
0x49: {  	_ =	shalt  }
0x4a: {  	_ =	shalt  }
0x4b: {  	_ =	shalt  }
0x4c: {  	_ =	shalt  }
0x4d: {  	_ =	shalt  }
0x4e: {  	_ =	shalt  }
0x4f: {  	_ =	shalt  }
0x50: {  	_ =	shalt  }
0x51: {  	_ =	shalt  }
0x52: {  	_ =	shalt  }
0x53: {  	_ =	shalt  }
0x54: {  	_ =	shalt  }
0x55: {  	_ =	shalt  }
0x56: {  	_ =	shalt  }
0x57: {  	_ =	shalt  }
0x58: {  	_ =	shalt  }
0x59: {  	_ =	shalt  }
0x5a: {  	_ =	shalt  }
0x5b: {  	_ =	shalt  }
0x5c: {  	_ =	shalt  }
0x5d: {  	_ =	shalt  }
0x5e: {  	_ =	shalt  }
0x5f: {  	_ =	shalt  }
0x60: {  	_ =	shalt  }
0x61: {  	_ =	shalt  }
0x62: {  	_ =	shalt  }
0x63: {  	_ =	shalt  }
0x64: {  	_ =	shalt  }
0x65: {  	_ =	shalt  }
0x66: {  	_ =	shalt  }
0x67: {  	_ =	shalt  }
0x68: {  	_ =	shalt  }
0x69: {  	_ =	shalt  }
0x6a: {  	_ =	shalt  }
0x6b: {  	_ =	shalt  }
0x6c: {  	_ =	shalt  }
0x6d: {  	_ =	shalt  }
0x6e: {  	_ =	shalt  }
0x6f: {  	_ =	shalt  }
0x70: {  	_ =	shalt  }
0x71: {  	_ =	shalt  }
0x72: {  	_ =	shalt  }
0x73: {  	_ =	shalt  }
0x74: {  	_ =	shalt  }
0x75: {  	_ =	shalt  }
0x76: {  	_ =	shalt  }
0x77: {  	_ =	shalt  }
0x78: {  	_ =	shalt  }
0x79: {  	_ =	shalt  }
0x7a: {  	_ =	shalt  }
0x7b: {  	_ =	shalt  }
0x7c: {  	_ =	shalt  }
0x7d: {  	_ =	shalt  }
0x7e: {  	_ =	shalt  }
0x7f: {  	_ =	shalt  }
0x80: {  	_ =	shalt  }
0x81: {  	_ =	shalt  }
0x82: {  	_ =	shalt  }
0x83: {  	_ =	shalt  }
0x84: {  	_ =	shalt  }
0x85: {  	_ =	shalt  }
0x86: {  	_ =	shalt  }
0x87: {  	_ =	shalt  }
.Lfunc_end0:
.L_simem_size_0:
called_computation_lowered:
.L_overlay_start_0:
0x88: {  	s2 =	sld [smem:$0x3FD9]  }
0x89: {  	s3 =	sld [smem:$0x3FFE];
	_ =	sdelay $0x1  }
0x8a: {  	s1 =	srdreg.scid  }
0x8b: {  	s0 =	sand.u32 $0x1, s1  }
0x8c: {  	s17 =	sshll.u32 s0, $0xA;
	s2 =	sadd.s32 s3, s2  }
0x8d: {  	s2 =	sadd.s32 s2, s17  }
0x8e: {  	[smem:$0x3FBD] =	sst s2  }
0x8f: {  	_ = 	snop  }
0x90: {  	s2 =	sld [smem:$0x3FC9];
	(tm) =	ssettm $0x1  }
0x91: {  	s18 =	sld [smem:$0x3FFB];
	_ =	sdelay $0x3  }
0x92: {  	_ =	strace s18  }
0x93: {  	s3 =	sld [smem:$0x3FFC];
	_ =	sdelay $0x3  }
0x94: {  	_ =	strace s3  }
0x95: {  	s3 =	sld [smem:$0x3FFD];
	_ =	sdelay $0x3  }
0x96: {  	_ =	strace s3  }
0x97: {  	_ =	strace $0x8FFFFFFF  }
0x98: {  	s19 =	sld [smem:$0x3FDB];
	_ =	sdelay $0x1  }
0x99: {  	s4 =	simm.s32 $_scs_section_size  }
0x9a: {  	s5 =	simm.s32 $_size__tile_overlayer_lowered;
	s6 =	simm.s32 $_tile_overlayer_lowered  }
0x9b: {  	s22 =	simm.s32 $0x1BFF;
	s21 =	sshll.u32 s6, $0x1;
	s3 =	sadd.s32 s4, s19  }
0x9c: {  	s7 =	simm.s32 $0x0;
	s20 =	sshll.u32 s5, $0x1;
	s5 =	sadd.s32 s21, s3  }
0x9d: {  	[timem:s7], [sflag:s22] =	dma.local [hbm:s5], s20  }
0x9e: {  	_ =	swait.ge [sflag:s22], s20  }
0x9f: {  	s4 =	ssub.s32 $0x0, s20;
	[sflag:s22] =	ssyncset.done $0x0  }
0xa0: {  	[sflag:s22] =	ssyncadd.s32 s4;
	_ =	sdelay $0x1  }
0xa1: {  	s23 =	simm.s32 $0x1B8B  }
0xa2: {  	_ =	swait.ge [sflag:s23], $0x1  }
0xa3: {  	[sflag:s23] =	ssyncset.done $0x0  }
0xa4: {  	s25 =	simm.s32 $0x1B8E;
	s24 =	sld [smem:$0x3FFE];
	[sflag:s23] =	ssyncadd.s32 $0xFFFFFFFF  }
0xa5: {  	s26 =	simm.s32 $execute0_lowered;
	[smem:$0x3FD2] =	sst s25  }
0xa6: {  	s5 =	sshll.u32 s26, $0x1;
	_ =	strace $0x80000046;
	[dreg:$0x1] =	wrdreg $0xFFFFFFFF  }
0xa7: {  	s28 =	simm.s32 $_size_execute0_lowered;
	s3 =	sadd.s32 s3, s5;
	[dreg:$0x0] =	wrdreg $0x0  }
0xa8: {  	s5 =	sshll.u32 s28, $0x1;
	[dreg:$0x2] =	wrdreg s3  }
0xa9: {  	[dreg:$0x3] =	wrdreg s5  }
0xaa: {  	[dreg:$0x4] =	wrdreg $0xC0  }
0xab: {  	_ =	task [dreg:s7], $0x5FFFF  }
0xac: {  	[dreg:$0x1] =	wrdreg $0xFFFFFFFF  }
0xad: {  	[dreg:$0x0] =	wrdreg $0x60  }
0xae: {  	[dreg:$0x2] =	wrdreg s2  }
0xaf: {  	[dreg:$0x3] =	wrdreg s24  }
0xb0: {  	[dreg:$0x4] =	wrdreg $0x9  }
0xb1: {  	_ =	task.clear_ibuf [dreg:s7], $0x5FFFF;
	_ =	strace $0x90000046  }
0xb2: {  	s29 =	simm.s32 $0x9;
	_ =	strace $0x80000048  }
0xb3: {  	_ =	swait.ge [sflag:s29], $0x1  }
0xb4: {  	[sflag:s29] =	ssyncadd.s32 $0xFFFFFFFF  }
0xb5: {  	_ =	strace $0x90000048  }
0xb6: {  	_ =	sfence  }
0xb7: {  	s30 =	sld [smem:$0x0];
	_ =	sdelay $0x2  }
0xb8: {  	s31 =	sshll.u32 s1, $0xD;
	s1 =	sshrl.u32 s1, $0x2  }
0xb9: {  	s3 =	sand.u32 $0x4000, s31;
	s1 =	sadd.s32 s1, s30  }
0xba: {  	s0 =	sor.u32 s3, s0;
	s1 =	sshll.u32 s1, $0x11  }
0xbb: {  	s0 =	sor.u32 s1, s0  }
0xbc: {  	s0 =	sadd.s32 $0x8F2B, s0  }
0xbd: {  	[sflag:s0] =	ssyncadd.remote.s32 $0x1  }
0xbe: {  	_ =	sfence.sel $0xFFFF  }
0xbf: {  	[dreg:$0x0] =	wrdreg $0xFFFFFFFF;
	(pc) =	sbr.abs _section_cstart, $3  }
0xc0: {  	[dreg:$0x1] =	wrdreg $0xFFFFFFFF  }
0xc1: {  	_ =	task.clear_ibuf [dreg:s7], $0x2FFFF;
	_ =	strace $0x9FFFFFFF  }
0xc2: {  	(tm) =	ssettm $0x7FFFFFFF  }
0xc3: {  	_ =	shalt  }
tec
execute0_lowered:
.L_overlay_start_1:
0x0: {  	(tag) =	ssettag $0x1  }
0x1: {  	s1 =	srdreg.scid;
	s3 =	rddreg [dreg:$0x0]  }
0x2: {  	s0 =	stileid.u32;
	s5 =	rddreg [dreg:$0x1];
	s8 =	simm.s32 $0x1  }
0x3: {  	s26 =	simm.s32 $0xC00;
	s9 =	simm.s32 $0x2;
	s11 =	simm.s32 $0x1C00  }
0x4: {  	s12 =	simm.s32 $0x2400;
	s13 =	simm.s32 $0x2C00;
	s14 =	simm.s32 $0x3400  }
0x5: {  	s15 =	simm.s32 $0x3C00;
	s16 =	simm.s32 $0x4400;
	s17 =	simm.s32 $0x4C00  }
0x6: {  	s18 =	simm.s32 $0x5400;
	s19 =	simm.s32 $0x5C00;
	s20 =	simm.s32 $0x6400  }
0x7: {  	s21 =	simm.s32 $0x6C00;
	s22 =	simm.s32 $0x7400;
	s23 =	simm.s32 $0x7C00  }
0x8: {  	s24 =	simm.s32 $0x8400;
	s25 =	simm.s32 $0x8C00;
	s28 =	simm.s32 $0x9C00  }
0x9: {  	s29 =	simm.s32 $0xA400;
	s1 =	sand.u32 $0x1, s1;
	s2 =	sshll.u32 s0, $0x1  }
0xa: {  	s30 =	simm.s32 $0xAC00;
	s31 =	simm.s32 $0xB400;
	s4 =	sor.u32 s1, s2  }
0xb: {  	s2 =	simm.s32 $0x0;
	s1 =	ssub.s32 $0x2, s1;
	s6 =	sshll.u32 s4, $0x7  }
0xc: {  	[smem:$0x7FF] =	sst s2;
	s4 =	smul.u32 $0x1800, s4;
	s7 =	sshrl.u32 s1, $0x1  }
0xd: {  	s6 =	sadd.s32 s6, s5;
	_ =	strace $0x80000047;
	s1 =	ssub.s32 s1, s7  }
0xe: {  	s7 =	simm.s32 $0x400;
	[dreg:$0x5] =	wrdreg s26;
	s6 =	sadd.s32 $0x1200, s6  }
0xf: {  	v0 =	vlaneseq.u32;
	s26 =	simm.s32 $0x9400;
	s4 =	sadd.s32 s3, s4;
	[dreg:$0x3] =	wrdreg s6  }
0x10: {  	v1 =	vshrl.u32 v0, $0x3;
	s3 =	sadd.s32 $0x2200, s5;
	[dreg:$0x4] =	wrdreg s4;
	s4 =	sadd.s32 $0x2300, s5  }
0x11: {  	vm0 =	vmmov $0xffff;
	v0 =	vand.u32 $0x7, v0;
	v1 =	vmul.u32 $0x8, v1;
	s5 =	sadd.s32 $0x2400, s5;
	s6 =	smax.u32 s1, $0x1;
	s1 =	simm.s32 $0xBC00  }
.LBB2_1:
0x12: {  	s0 =	rddreg [dreg:$0x3]  }
0x13: {  	[tilespmem:s2], [sflag:$0x1] =	stream.linear.gather [hbm4b:s0+s2], $0x400, $0x38;
	[tilespmem:$0xC400] =	vst v63  }
0x14: {  	s10 =	rddreg [dreg:$0x4]  }
0x15: {  	[tilespmem:s7], [sflag:$0x2] =	stream.linear.gather [hbm4b:s10+s2], $0xC000, $0x38;
	[tilespmem:$0xC400] =	vst v63  }
0x16: {  	_ =	swait.ge [sflag:s8], $0x400  }
0x17: {  	[sflag:s8] =	ssyncset.done $0x0  }
0x18: {  	[sflag:s8] =	ssyncadd.s32 $0xFFFFFC00  }
0x19: {  	_ =	swait.ge [sflag:s9], $0xC000  }
0x1a: {  	[sflag:s9] =	ssyncset.done $0x0  }
0x1b: {  	[sflag:s9] =	ssyncadd.s32 $0xFFFF4000  }
0x1c: {  	v2 =	vld.msk [tilespmem:$0x0], $0xff;
	_ =	sdelay $0x4  }
0x1d: {  	v3 =	vshrl.u32 v2, $0x3  }
0x1e: {  	v3 =	vmul.u32 $0x30, v3  }
0x1f: {  	v2 =	vand.u32 $0x7, v2  }
0x20: {  	v2 =	vor.u32 v2, v3  }
0x21: {  	v2 =	vperm.xlane v2, v0;
	_ =	sdelay $0x1  }
0x22: {  	v2 =	vadd.s32 v1, v2;
	_ =	sdelay $0x4  }
0x23: {  	[hbm4b:s3+s2] =	stream.indirect_vreg.scatter [tilespmem:s7], [sflag:$0x2], $0x80, v2, vm0, $0xb8;
	[tilespmem:$0xC400] =	vst v63  }
0x24: {  	s10 =	rddreg [dreg:$0x5]  }
0x25: {  	[hbm4b:s4+s2] =	stream.indirect_vreg.scatter [tilespmem:s10], [sflag:$0x2], $0x80, v2, vm0, $0xb8;
	[tilespmem:$0xC400] =	vst v63  }
0x26: {  	s10 =	simm.s32 $0x1400  }
0x27: {  	[hbm4b:s5+s2] =	stream.indirect_vreg.scatter [tilespmem:s10], [sflag:$0x2], $0x80, v2, vm0, $0xb8;
	[tilespmem:$0xC400] =	vst v63  }
0x28: {  	v2 =	vld.msk [tilespmem:$0x80], $0xff;
	_ =	sdelay $0x4  }
0x29: {  	v3 =	vshrl.u32 v2, $0x3  }
0x2a: {  	v3 =	vmul.u32 $0x30, v3  }
0x2b: {  	v2 =	vand.u32 $0x7, v2  }
0x2c: {  	v2 =	vor.u32 v2, v3  }
0x2d: {  	v2 =	vperm.xlane v2, v0;
	_ =	sdelay $0x1  }
0x2e: {  	v2 =	vadd.s32 v1, v2;
	_ =	sdelay $0x4  }
0x2f: {  	[hbm4b:s3+s2] =	stream.indirect_vreg.scatter [tilespmem:s11], [sflag:$0x2], $0x80, v2, vm0, $0xb8;
	[tilespmem:$0xC400] =	vst v63  }
0x30: {  	_ = 	snop  }
0x31: {  	[hbm4b:s4+s2] =	stream.indirect_vreg.scatter [tilespmem:s12], [sflag:$0x2], $0x80, v2, vm0, $0xb8;
	[tilespmem:$0xC400] =	vst v63  }
0x32: {  	_ = 	snop  }
0x33: {  	[hbm4b:s5+s2] =	stream.indirect_vreg.scatter [tilespmem:s13], [sflag:$0x2], $0x80, v2, vm0, $0xb8;
	[tilespmem:$0xC400] =	vst v63  }
0x34: {  	v2 =	vld.msk [tilespmem:$0x100], $0xff;
	_ =	sdelay $0x4  }
0x35: {  	v3 =	vshrl.u32 v2, $0x3  }
0x36: {  	v3 =	vmul.u32 $0x30, v3  }
0x37: {  	v2 =	vand.u32 $0x7, v2  }
0x38: {  	v2 =	vor.u32 v2, v3  }
0x39: {  	v2 =	vperm.xlane v2, v0;
	_ =	sdelay $0x1  }
0x3a: {  	v2 =	vadd.s32 v1, v2;
	_ =	sdelay $0x4  }
0x3b: {  	[hbm4b:s3+s2] =	stream.indirect_vreg.scatter [tilespmem:s14], [sflag:$0x2], $0x80, v2, vm0, $0xb8;
	[tilespmem:$0xC400] =	vst v63  }
0x3c: {  	_ = 	snop  }
0x3d: {  	[hbm4b:s4+s2] =	stream.indirect_vreg.scatter [tilespmem:s15], [sflag:$0x2], $0x80, v2, vm0, $0xb8;
	[tilespmem:$0xC400] =	vst v63  }
0x3e: {  	_ = 	snop  }
0x3f: {  	[hbm4b:s5+s2] =	stream.indirect_vreg.scatter [tilespmem:s16], [sflag:$0x2], $0x80, v2, vm0, $0xb8;
	[tilespmem:$0xC400] =	vst v63  }
0x40: {  	v2 =	vld.msk [tilespmem:$0x180], $0xff;
	_ =	sdelay $0x4  }
0x41: {  	v3 =	vshrl.u32 v2, $0x3  }
0x42: {  	v3 =	vmul.u32 $0x30, v3  }
0x43: {  	v2 =	vand.u32 $0x7, v2  }
0x44: {  	v2 =	vor.u32 v2, v3  }
0x45: {  	v2 =	vperm.xlane v2, v0;
	_ =	sdelay $0x1  }
0x46: {  	v2 =	vadd.s32 v1, v2;
	_ =	sdelay $0x4  }
0x47: {  	[hbm4b:s3+s2] =	stream.indirect_vreg.scatter [tilespmem:s17], [sflag:$0x2], $0x80, v2, vm0, $0xb8;
	[tilespmem:$0xC400] =	vst v63  }
0x48: {  	_ = 	snop  }
0x49: {  	[hbm4b:s4+s2] =	stream.indirect_vreg.scatter [tilespmem:s18], [sflag:$0x2], $0x80, v2, vm0, $0xb8;
	[tilespmem:$0xC400] =	vst v63  }
0x4a: {  	_ = 	snop  }
0x4b: {  	[hbm4b:s5+s2] =	stream.indirect_vreg.scatter [tilespmem:s19], [sflag:$0x2], $0x80, v2, vm0, $0xb8;
	[tilespmem:$0xC400] =	vst v63  }
0x4c: {  	v2 =	vld.msk [tilespmem:$0x200], $0xff;
	_ =	sdelay $0x4  }
0x4d: {  	v3 =	vshrl.u32 v2, $0x3  }
0x4e: {  	v3 =	vmul.u32 $0x30, v3  }
0x4f: {  	v2 =	vand.u32 $0x7, v2  }
0x50: {  	v2 =	vor.u32 v2, v3  }
0x51: {  	v2 =	vperm.xlane v2, v0;
	_ =	sdelay $0x1  }
0x52: {  	v2 =	vadd.s32 v1, v2;
	_ =	sdelay $0x4  }
0x53: {  	[hbm4b:s3+s2] =	stream.indirect_vreg.scatter [tilespmem:s20], [sflag:$0x2], $0x80, v2, vm0, $0xb8;
	[tilespmem:$0xC400] =	vst v63  }
0x54: {  	_ = 	snop  }
0x55: {  	[hbm4b:s4+s2] =	stream.indirect_vreg.scatter [tilespmem:s21], [sflag:$0x2], $0x80, v2, vm0, $0xb8;
	[tilespmem:$0xC400] =	vst v63  }
0x56: {  	_ = 	snop  }
0x57: {  	[hbm4b:s5+s2] =	stream.indirect_vreg.scatter [tilespmem:s22], [sflag:$0x2], $0x80, v2, vm0, $0xb8;
	[tilespmem:$0xC400] =	vst v63  }
0x58: {  	v2 =	vld.msk [tilespmem:$0x280], $0xff;
	_ =	sdelay $0x4  }
0x59: {  	v3 =	vshrl.u32 v2, $0x3  }
0x5a: {  	v3 =	vmul.u32 $0x30, v3  }
0x5b: {  	v2 =	vand.u32 $0x7, v2  }
0x5c: {  	v2 =	vor.u32 v2, v3  }
0x5d: {  	v2 =	vperm.xlane v2, v0;
	_ =	sdelay $0x1  }
0x5e: {  	v2 =	vadd.s32 v1, v2;
	_ =	sdelay $0x4  }
0x5f: {  	[hbm4b:s3+s2] =	stream.indirect_vreg.scatter [tilespmem:s23], [sflag:$0x2], $0x80, v2, vm0, $0xb8;
	[tilespmem:$0xC400] =	vst v63  }
0x60: {  	_ = 	snop  }
0x61: {  	[hbm4b:s4+s2] =	stream.indirect_vreg.scatter [tilespmem:s24], [sflag:$0x2], $0x80, v2, vm0, $0xb8;
	[tilespmem:$0xC400] =	vst v63  }
0x62: {  	_ = 	snop  }
0x63: {  	[hbm4b:s5+s2] =	stream.indirect_vreg.scatter [tilespmem:s25], [sflag:$0x2], $0x80, v2, vm0, $0xb8;
	[tilespmem:$0xC400] =	vst v63  }
0x64: {  	v2 =	vld.msk [tilespmem:$0x300], $0xff;
	_ =	sdelay $0x4  }
0x65: {  	v3 =	vshrl.u32 v2, $0x3  }
0x66: {  	v3 =	vmul.u32 $0x30, v3  }
0x67: {  	v2 =	vand.u32 $0x7, v2  }
0x68: {  	v2 =	vor.u32 v2, v3  }
0x69: {  	v2 =	vperm.xlane v2, v0;
	_ =	sdelay $0x1  }
0x6a: {  	v2 =	vadd.s32 v1, v2;
	_ =	sdelay $0x4  }
0x6b: {  	[hbm4b:s3+s2] =	stream.indirect_vreg.scatter [tilespmem:s26], [sflag:$0x2], $0x80, v2, vm0, $0xb8;
	[tilespmem:$0xC400] =	vst v63  }
0x6c: {  	_ = 	snop  }
0x6d: {  	[hbm4b:s4+s2] =	stream.indirect_vreg.scatter [tilespmem:s28], [sflag:$0x2], $0x80, v2, vm0, $0xb8;
	[tilespmem:$0xC400] =	vst v63  }
0x6e: {  	_ = 	snop  }
0x6f: {  	[hbm4b:s5+s2] =	stream.indirect_vreg.scatter [tilespmem:s29], [sflag:$0x2], $0x80, v2, vm0, $0xb8;
	[tilespmem:$0xC400] =	vst v63  }
0x70: {  	v2 =	vld.msk [tilespmem:$0x380], $0xff;
	_ =	sdelay $0x4  }
0x71: {  	v3 =	vshrl.u32 v2, $0x3  }
0x72: {  	v3 =	vmul.u32 $0x30, v3  }
0x73: {  	v2 =	vand.u32 $0x7, v2  }
0x74: {  	v2 =	vor.u32 v2, v3  }
0x75: {  	v2 =	vperm.xlane v2, v0;
	_ =	sdelay $0x1  }
0x76: {  	v2 =	vadd.s32 v1, v2;
	_ =	sdelay $0x4  }
0x77: {  	[hbm4b:s3+s2] =	stream.indirect_vreg.scatter [tilespmem:s30], [sflag:$0x2], $0x80, v2, vm0, $0xb8;
	[tilespmem:$0xC400] =	vst v63  }
0x78: {  	_ = 	snop  }
0x79: {  	[hbm4b:s4+s2] =	stream.indirect_vreg.scatter [tilespmem:s31], [sflag:$0x2], $0x80, v2, vm0, $0xb8;
	[tilespmem:$0xC400] =	vst v63  }
0x7a: {  	_ = 	snop  }
0x7b: {  	[hbm4b:s5+s2] =	stream.indirect_vreg.scatter [tilespmem:s1], [sflag:$0x2], $0x80, v2, vm0, $0xb8;
	[tilespmem:$0xC400] =	vst v63  }
0x7c: {  	_ =	swait.ge [sflag:s9], $0x1800  }
0x7d: {  	[sflag:s9] =	ssyncset.done $0x0  }
0x7e: {  	[sflag:s9] =	ssyncadd.s32 $0xFFFFE800  }
0x7f: {  	_ =	swait.ge [sflag:s9], $0x1800  }
0x80: {  	[sflag:s9] =	ssyncset.done $0x0  }
0x81: {  	[sflag:s9] =	ssyncadd.s32 $0xFFFFE800  }
0x82: {  	_ =	swait.ge [sflag:s9], $0x1800  }
0x83: {  	[sflag:s9] =	ssyncset.done $0x0  }
0x84: {  	[sflag:s9] =	ssyncadd.s32 $0xFFFFE800  }
0x85: {  	_ =	swait.ge [sflag:s9], $0x1800  }
0x86: {  	[sflag:s9] =	ssyncset.done $0x0  }
0x87: {  	[sflag:s9] =	ssyncadd.s32 $0xFFFFE800  }
0x88: {  	_ =	swait.ge [sflag:s9], $0x1800  }
0x89: {  	[sflag:s9] =	ssyncset.done $0x0  }
0x8a: {  	[sflag:s9] =	ssyncadd.s32 $0xFFFFE800  }
0x8b: {  	_ =	swait.ge [sflag:s9], $0x1800  }
0x8c: {  	[sflag:s9] =	ssyncset.done $0x0  }
0x8d: {  	[sflag:s9] =	ssyncadd.s32 $0xFFFFE800  }
0x8e: {  	p0 =	sne.s32 s6, $0x1;
	_ =	swait.ge [sflag:s9], $0x1800  }
.Ltmp0:
0x8f: {  	[sflag:s9] =	ssyncset.done $0x0;
	(pc) =	sbr.rel @p0 .LBB2_1-.Ltmp0, $4  }
0x90: {  	[sflag:s9] =	ssyncadd.s32 $0xFFFFE800  }
0x91: {  	_ =	swait.ge [sflag:s9], $0x1800  }
0x92: {  	[sflag:s9] =	ssyncset.done $0x0  }
0x93: {  	s6 =	sadd.s32 $0xFFFFFFFF, s6;
	[sflag:s9] =	ssyncadd.s32 $0xFFFFE800  }
0x94: {  	_ =	sfence.sel $0x180000  }
0x95: {  	[bflag:$0x0] =	sbarrier.arrive $0xFFFF  }
0x96: {  	_ =	strace $0x90000047  }
0x97: {  	s0 =	stileid.u32;
	[bflag:$0x2] =	sbarrier.arrive $0xFFFF  }
0x98: {  	p0 =	sne.s32 s0, $0x0;
	s0 =	rddreg [dreg:$0x2]  }
0x99: {  	s0 =	sadd.s32 @!p0 $0x100000, s0  }
0x9a: {  	[sflag:s0] =	ssyncadd.tile.s32 @!p0 $0x1;
	_ =	shalt  }
.Lfunc_end2:
_tile_overlayer_lowered:
.L_overlay_start_2:
0x9b: {  	(tag) =	ssettag $0x2  }
0x9c: {  	s0 =	rddreg [dreg:$0x0];
	s2 =	stileid.u32  }
0x9d: {  	s1 =	rddreg [dreg:$0x1];
	p0 =	sne.s32 s2, $0x0  }
0x9e: {  	s3 =	rddreg [dreg:$0x2];
	[bflag:$0x3] =	sbarrier.arrive $0xFFFF;
	s2 =	simm.s32 @!p0 $0x1C03  }
0x9f: {  	[timem:s3], [sflag:s2] =	dma.local @!p0 [hbm:s0], s1  }
0xa0: {  	s0 =	simm.s32 @!p0 $0x3  }
0xa1: {  	_ =	swait.ge @!p0 [sflag:s0], s1  }
0xa2: {  	s1 =	ssub.s32 @!p0 $0x0, s1;
	[sflag:s0] =	ssyncset.done @!p0 $0x0  }
0xa3: {  	[sflag:s0] =	ssyncadd.s32 @!p0 s1  }
0xa4: {  	[bflag:$0x3] =	sbarrier.arrive $0xFFFF  }
0xa5: {  	_ =	shalt  }

</sc_bundles>
